<compile_context>
chip_gen: v7x
topology: tpu7x:2x2x1
jax: 0.10.2.dev20260603
libtpu: 0.0.44.dev20260713+nightly
codegen_flags: <defaults>
</compile_context>

<pallas_src>
import functools

import jax
import jax.numpy as jnp
import numpy as np
from jax import lax
from jax.experimental import pallas as pl
from jax.experimental.pallas import tpu as pltpu
from jax.experimental.pallas import tpu_sc as plsc

FOV_UP_RAD = 90.0 / 180.0 * np.pi
FOV_DOWN_RAD = -90.0 / 180.0 * np.pi
FOV_RAD = abs(FOV_DOWN_RAD) + abs(FOV_UP_RAD)
W = 2048
H = 64
N = 131072

NC = 2
NS = 16
NW = NC * NS
PIX_PER_W = (H * W) // NW
CHUNK = 8192
NCHUNKS = N // CHUNK
VECS = CHUNK // 16
UNROLL = 8


def _scatter_body(key_hbm, refl_hbm, depth_hbm, out_rd_hbm, out_lab_hbm,
                  key_v0, key_v1, refl_v0, refl_v1, depth_v0, depth_v1,
                  rows_rd, rows_lab, sem0, sem1):
    c = lax.axis_index("c")
    s = lax.axis_index("s")
    wid = s * NC + c
    sems = (sem0, sem1)
    key_b = (key_v0, key_v1)
    refl_b = (refl_v0, refl_v1)
    depth_b = (depth_v0, depth_v1)
    zf = jnp.zeros((16,), jnp.float32)
    zi = jnp.zeros((16,), jnp.int32)

    def zero_rd(i, carry):
        rows_rd[pl.ds(i * 16, 16)] = zf
        return carry

    lax.fori_loop(0, (2 * PIX_PER_W) // 16, zero_rd, 0)

    def zero_lab(i, carry):
        rows_lab[pl.ds(i * 16, 16)] = zi
        return carry

    lax.fori_loop(0, PIX_PER_W // 16, zero_lab, 0)

    def start(ci, b):
        base = ((ci + wid) % NCHUNKS) * CHUNK
        pltpu.async_copy(key_hbm.at[pl.ds(base, CHUNK)], key_b[b], sems[b])
        pltpu.async_copy(refl_hbm.at[pl.ds(base, CHUNK)], refl_b[b], sems[b])
        pltpu.async_copy(depth_hbm.at[pl.ds(base, CHUNK)], depth_b[b], sems[b])

    def wait(b):
        pltpu.make_async_copy(key_hbm.at[pl.ds(0, CHUNK)], key_b[b], sems[b]).wait()
        pltpu.make_async_copy(refl_hbm.at[pl.ds(0, CHUNK)], refl_b[b], sems[b]).wait()
        pltpu.make_async_copy(depth_hbm.at[pl.ds(0, CHUNK)], depth_b[b], sems[b]).wait()

    start(0, 0)
    start(1, 1)

    def pair_body(p, carry):
        for b in range(2):
            ci = p * 2 + b
            wait(b)
            kb, rb, db = key_b[b], refl_b[b], depth_b[b]

            def vec_body(vi, c2):
                for u in range(UNROLL):
                    off = (vi * UNROLL + u) * 16
                    k = kb[pl.ds(off, 16)]
                    pix = k & 0x1FFFF
                    m = (pix >> 12) == wid
                    local = pix & 0xFFF
                    lab = k >> 17
                    r = rb[pl.ds(off, 16)]
                    d = db[pl.ds(off, 16)]
                    off_r = ((local & 0x800) << 1) | (local & 0x7FF)
                    plsc.store_scatter(rows_rd, [off_r], r, mask=m)
                    plsc.store_scatter(rows_rd, [off_r + 2048], d, mask=m)
                    plsc.store_scatter(rows_lab, [local], lab, mask=m)
                return c2

            lax.fori_loop(0, VECS // UNROLL, vec_body, 0)
            nxt = jnp.minimum(ci + 2, NCHUNKS - 1)
            start(nxt, b)
        return carry

    lax.fori_loop(0, NCHUNKS // 2, pair_body, 0)
    wait(0)
    wait(1)

    pltpu.sync_copy(rows_rd, out_rd_hbm.at[pl.ds(wid * 2 * PIX_PER_W, 2 * PIX_PER_W)])
    pltpu.sync_copy(rows_lab, out_lab_hbm.at[pl.ds(wid * PIX_PER_W, PIX_PER_W)])


_scatter_call = pl.kernel(
    _scatter_body,
    out_type=(
        jax.ShapeDtypeStruct((H * W * 2,), jnp.float32),
        jax.ShapeDtypeStruct((H * W,), jnp.int32),
    ),
    mesh=plsc.VectorSubcoreMesh(
        core_axis_name="c", subcore_axis_name="s", num_cores=NC, num_subcores=NS
    ),
    scratch_types=(
        pltpu.VMEM((CHUNK,), jnp.int32),
        pltpu.VMEM((CHUNK,), jnp.int32),
        pltpu.VMEM((CHUNK,), jnp.float32),
        pltpu.VMEM((CHUNK,), jnp.float32),
        pltpu.VMEM((CHUNK,), jnp.float32),
        pltpu.VMEM((CHUNK,), jnp.float32),
        pltpu.VMEM((2 * PIX_PER_W,), jnp.float32),
        pltpu.VMEM((PIX_PER_W,), jnp.int32),
        pltpu.SemaphoreType.DMA,
        pltpu.SemaphoreType.DMA,
    ),
    compiler_params=pltpu.CompilerParams(needs_layout_passes=False),
)


SUB = 1024
LANE = 128


def _project_body(ft_ref, lab_ref, key_ref, refl_ref, depth_ref):
    x = ft_ref[0]
    y = ft_ref[1]
    z = ft_ref[2]
    r = ft_ref[3]
    lab = lab_ref[...]
    d2 = (x * x + z * z) + y * y
    depth = jnp.sqrt(d2)
    t = z * lax.rsqrt(d2)
    yaw = jnp.arctan2(y, x)
    q = jnp.sqrt((1.0 - t) * (1.0 + t))
    a = jnp.arctan2(t, q + 1.0)
    pitch = a + a
    inv_pi = np.float32(0.31830987334251404)
    proj_x = (yaw * inv_pi + 1.0) * np.float32(1024.0)
    proj_y = (np.float32(1.5707963705062866) - pitch) * (inv_pi * np.float32(64.0))
    proj_x = jnp.clip(jnp.floor(proj_x), 0.0, float(W - 1)).astype(jnp.int32)
    proj_y = jnp.clip(jnp.floor(proj_y), 0.0, float(H - 1)).astype(jnp.int32)
    key_ref[...] = (lab << 17) | (proj_y * W + proj_x)
    refl_ref[...] = r
    depth_ref[...] = depth


_project_call = pl.pallas_call(
    _project_body,
    out_shape=(
        jax.ShapeDtypeStruct((SUB, LANE), jnp.int32),
        jax.ShapeDtypeStruct((SUB, LANE), jnp.float32),
        jax.ShapeDtypeStruct((SUB, LANE), jnp.float32),
    ),
)


def kernel(frame, label):
    ft = frame.T.reshape(4, SUB, LANE)
    lab2 = label.reshape(SUB, LANE)
    key, refl, depth = _project_call(ft, lab2)
    out_rd, out_lab = _scatter_call(
        key.reshape(N), refl.reshape(N), depth.reshape(N)
    )
    out_img = out_rd.reshape(H, 2, W).transpose(0, 2, 1)
    return out_img, out_lab.reshape(H, W)

# --- scband reference (transcript-rebuilt; emitter-appended) ---
"""Pipeline reference for scband-spherical-projection-transform-38594576122434 (READ-ONLY COPY).

The authoritative reference and input builder live on the scoring server;
editing this copy changes nothing except your own understanding.
"""

import jax, jax.numpy as jnp
import numpy as np

FOV_UP_RAD = 90.0 / 180.0 * np.pi
FOV_DOWN_RAD = -90.0 / 180.0 * np.pi
FOV_RAD = abs(FOV_DOWN_RAD) + abs(FOV_UP_RAD)
W = 2048
H = 64
N = 131072


def setup_inputs(seed: int = 0) -> dict:
    key = jax.random.key(seed)
    k1, k2 = jax.random.split(key)
    frame = jax.random.normal(k1, (N, 4), dtype=jnp.float32)
    label = jax.random.randint(k2, (N,), 0, 20, dtype=jnp.int32)
    return {"frame": frame, "label": label}


def reference(frame, label):
    scan_xyz = frame[:, :3]
    reflectance = frame[:, 3]
    depth = jnp.linalg.norm(scan_xyz, axis=1)
    yaw = jnp.arctan2(scan_xyz[:, 1], scan_xyz[:, 0])
    pitch = jnp.arcsin(scan_xyz[:, 2] / depth)
    proj_x = 0.5 * (yaw / np.pi + 1.0)
    proj_y = (abs(FOV_UP_RAD) - pitch) / FOV_RAD
    proj_x = proj_x * W
    proj_y = proj_y * H
    proj_x = jnp.floor(proj_x)
    proj_x = jnp.clip(proj_x, 0, W - 1).astype(jnp.int32)
    proj_y = jnp.floor(proj_y)
    proj_y = jnp.clip(proj_y, 0, H - 1).astype(jnp.int32)
    vals = jnp.stack((reflectance, depth, label.astype(jnp.float32)), axis=-1)
    img = jnp.zeros((H, W, 3), dtype=jnp.float32).at[proj_y, proj_x].set(vals)
    reflectance_depth_img = img[:, :, :2]
    label_img = img[:, :, 2].astype(jnp.int32)
    return (reflectance_depth_img, label_img)

if __name__ == "__main__":
    import jax
    _d = setup_inputs()
    print(jax.jit(kernel)(*tuple(_d.values())))

</pallas_src>

<mosaic_0001>
#map = affine_map<(d0, d1) -> (0)>
module attributes {stable_mosaic.version = 14 : i64} {
  func.func @_scatter_body(%arg0: i32, %arg1: i32, %arg2: memref<131072xi32, #tpu.memory_space<hbm>>, %arg3: memref<131072xf32, #tpu.memory_space<hbm>>, %arg4: memref<131072xf32, #tpu.memory_space<hbm>>, %arg5: memref<262144xf32, #tpu.memory_space<hbm>>, %arg6: memref<131072xi32, #tpu.memory_space<hbm>>, %arg7: memref<8192xi32, #tpu.memory_space<vmem>>, %arg8: memref<8192xi32, #tpu.memory_space<vmem>>, %arg9: memref<8192xf32, #tpu.memory_space<vmem>>, %arg10: memref<8192xf32, #tpu.memory_space<vmem>>, %arg11: memref<8192xf32, #tpu.memory_space<vmem>>, %arg12: memref<8192xf32, #tpu.memory_space<vmem>>, %arg13: memref<8192xf32, #tpu.memory_space<vmem>>, %arg14: memref<4096xi32, #tpu.memory_space<vmem>>, %arg15: memref<!tpu.dma_semaphore, #tpu.memory_space<semaphore_mem>>, %arg16: memref<!tpu.dma_semaphore, #tpu.memory_space<semaphore_mem>>) attributes {dimension_semantics = [#tpu.dimension_semantics<core_parallel>, #tpu.dimension_semantics<subcore_parallel>], iteration_bounds = array<i64: 2, 16>, scalar_prefetch = 0 : i64, scratch_operands = 10 : i64, tpu.core_type = #tpu.core_type<sc_vector_subcore>, window_params = [{transform_indices = #map}, {transform_indices = #map}, {transform_indices = #map}, {transform_indices = #map}, {transform_indices = #map}]} {
    %mul3A = arith.constant 2 : i32
    %mul3A_0 = arith.muli %arg1, %mul3A : i32
    %add3A = arith.addi %mul3A_0, %arg0 : i32
    %broadcast_in_dim3A = arith.constant 0.000000e+00 : f32
    %broadcast_in_dim3A_1 = vector.broadcast %broadcast_in_dim3A : f32 to vector<16xf32>
    %broadcast_in_dim3A_2 = arith.constant 0 : i32
    %broadcast_in_dim3A_3 = vector.broadcast %broadcast_in_dim3A_2 : i32 to vector<16xi32>
    %scan3A = arith.constant 0 : i32
    %scan3A_4 = arith.constant 0 : i32
    %scan3A_5 = arith.constant 512 : i32
    %scan3A_6 = arith.addi %scan3A_4, %scan3A_5 : i32
    %scan3A_7 = arith.constant 1 : i32
    scf.for %scan3A_94 = %scan3A_4 to %scan3A_6 step %scan3A_7  : i32 {
      %mul3A_95 = arith.constant 16 : i32
      %mul3A_96 = arith.muli %scan3A_94, %mul3A_95 : i32
      %swap3A = arith.index_cast %mul3A_96 : i32 to index
      %swap3A_97 = tpu.vector_load %arg13[%swap3A] {strides = array<i32>} : memref<8192xf32, #tpu.memory_space<vmem>>, vector<16xf32>,
      tpu.vector_store %arg13[%swap3A], %broadcast_in_dim3A_1 {strides = array<i32>} : memref<8192xf32, #tpu.memory_space<vmem>>, vector<16xf32>,
    }
    %scan3A_8 = arith.constant 512 : i32
    %scan3A_9 = arith.constant 0 : i32
    %scan3A_10 = arith.constant 0 : i32
    %scan3A_11 = arith.constant 256 : i32
    %scan3A_12 = arith.addi %scan3A_10, %scan3A_11 : i32
    %scan3A_13 = arith.constant 1 : i32
    scf.for %scan3A_94 = %scan3A_10 to %scan3A_12 step %scan3A_13  : i32 {
      %mul3A_95 = arith.constant 16 : i32
      %mul3A_96 = arith.muli %scan3A_94, %mul3A_95 : i32
      %swap3A = arith.index_cast %mul3A_96 : i32 to index
      %swap3A_97 = tpu.vector_load %arg14[%swap3A] {strides = array<i32>} : memref<4096xi32, #tpu.memory_space<vmem>>, vector<16xi32>,
      tpu.vector_store %arg14[%swap3A], %broadcast_in_dim3A_3 {strides = array<i32>} : memref<4096xi32, #tpu.memory_space<vmem>>, vector<16xi32>,
    }
    %scan3A_14 = arith.constant 256 : i32
    %add3A_15 = arith.constant 0 : i32
    %add3A_16 = arith.addi %add3A_15, %add3A : i32
    %jit3A = arith.constant 16 : i32
    %eq3A = arith.constant 0 : i32
    %eq3A_17 = arith.cmpi eq, %jit3A, %eq3A : i32
    %jit3A_18 = arith.constant 1 : i32
    %select_n3A = arith.select %eq3A_17, %jit3A_18, %jit3A : i32
    %rem3A = arith.remsi %add3A_16, %select_n3A : i32
    %ne3A = arith.constant 0 : i32
    %ne3A_19 = arith.cmpi ne, %rem3A, %ne3A : i32
    %lt3A = arith.constant 0 : i32
    %lt3A_20 = arith.cmpi slt, %rem3A, %lt3A : i32
    %lt3A_21 = arith.constant 0 : i32
    %lt3A_22 = arith.cmpi slt, %select_n3A, %lt3A_21 : i32
    %ne3A_23 = arith.xori %lt3A_20, %lt3A_22 : i1
    %and3A = arith.andi %ne3A_23, %ne3A_19 : i1
    %add3A_24 = arith.addi %rem3A, %select_n3A : i32
    %select_n3A_25 = arith.select %and3A, %add3A_24, %rem3A : i32
    %mul3A_26 = arith.constant 8192 : i32
    %mul3A_27 = arith.muli %select_n3A_25, %mul3A_26 : i32
    %dma_start3A = tpu.memref_slice %arg2[%mul3A_27] : memref<131072xi32, #tpu.memory_space<hbm>> -> memref<8192xi32, #tpu.memory_space<hbm>>
    %dma_start3A_28 = tpu.memref_slice %arg2[%mul3A_27] : memref<131072xi32, #tpu.memory_space<hbm>> -> memref<8192xi32, #tpu.memory_space<hbm>>
    tpu.enqueue_dma source(%dma_start3A_28 : memref<8192xi32, #tpu.memory_space<hbm>>) target(%arg7 : memref<8192xi32, #tpu.memory_space<vmem>>) target_semaphore(%arg15 : memref<!tpu.dma_semaphore, #tpu.memory_space<semaphore_mem>>)
    %dma_start3A_29 = tpu.memref_slice %arg3[%mul3A_27] : memref<131072xf32, #tpu.memory_space<hbm>> -> memref<8192xf32, #tpu.memory_space<hbm>>
    %dma_start3A_30 = tpu.memref_slice %arg3[%mul3A_27] : memref<131072xf32, #tpu.memory_space<hbm>> -> memref<8192xf32, #tpu.memory_space<hbm>>
    tpu.enqueue_dma source(%dma_start3A_30 : memref<8192xf32, #tpu.memory_space<hbm>>) target(%arg9 : memref<8192xf32, #tpu.memory_space<vmem>>) target_semaphore(%arg15 : memref<!tpu.dma_semaphore, #tpu.memory_space<semaphore_mem>>)
    %dma_start3A_31 = tpu.memref_slice %arg4[%mul3A_27] : memref<131072xf32, #tpu.memory_space<hbm>> -> memref<8192xf32, #tpu.memory_space<hbm>>
    %dma_start3A_32 = tpu.memref_slice %arg4[%mul3A_27] : memref<131072xf32, #tpu.memory_space<hbm>> -> memref<8192xf32, #tpu.memory_space<hbm>>
    tpu.enqueue_dma source(%dma_start3A_32 : memref<8192xf32, #tpu.memory_space<hbm>>) target(%arg11 : memref<8192xf32, #tpu.memory_space<vmem>>) target_semaphore(%arg15 : memref<!tpu.dma_semaphore, #tpu.memory_space<semaphore_mem>>)
    %add3A_33 = arith.constant 1 : i32
    %add3A_34 = arith.addi %add3A_33, %add3A : i32
    %jit3A_35 = arith.constant 16 : i32
    %eq3A_36 = arith.constant 0 : i32
    %eq3A_37 = arith.cmpi eq, %jit3A_35, %eq3A_36 : i32
    %jit3A_38 = arith.constant 1 : i32
    %select_n3A_39 = arith.select %eq3A_37, %jit3A_38, %jit3A_35 : i32
    %rem3A_40 = arith.remsi %add3A_34, %select_n3A_39 : i32
    %ne3A_41 = arith.constant 0 : i32
    %ne3A_42 = arith.cmpi ne, %rem3A_40, %ne3A_41 : i32
    %lt3A_43 = arith.constant 0 : i32
    %lt3A_44 = arith.cmpi slt, %rem3A_40, %lt3A_43 : i32
    %lt3A_45 = arith.constant 0 : i32
    %lt3A_46 = arith.cmpi slt, %select_n3A_39, %lt3A_45 : i32
    %ne3A_47 = arith.xori %lt3A_44, %lt3A_46 : i1
    %and3A_48 = arith.andi %ne3A_47, %ne3A_42 : i1
    %add3A_49 = arith.addi %rem3A_40, %select_n3A_39 : i32
    %select_n3A_50 = arith.select %and3A_48, %add3A_49, %rem3A_40 : i32
    %mul3A_51 = arith.constant 8192 : i32
    %mul3A_52 = arith.muli %select_n3A_50, %mul3A_51 : i32
    %dma_start3A_53 = tpu.memref_slice %arg2[%mul3A_52] : memref<131072xi32, #tpu.memory_space<hbm>> -> memref<8192xi32, #tpu.memory_space<hbm>>
    %dma_start3A_54 = tpu.memref_slice %arg2[%mul3A_52] : memref<131072xi32, #tpu.memory_space<hbm>> -> memref<8192xi32, #tpu.memory_space<hbm>>
    tpu.enqueue_dma source(%dma_start3A_54 : memref<8192xi32, #tpu.memory_space<hbm>>) target(%arg8 : memref<8192xi32, #tpu.memory_space<vmem>>) target_semaphore(%arg16 : memref<!tpu.dma_semaphore, #tpu.memory_space<semaphore_mem>>)
    %dma_start3A_55 = tpu.memref_slice %arg3[%mul3A_52] : memref<131072xf32, #tpu.memory_space<hbm>> -> memref<8192xf32, #tpu.memory_space<hbm>>
    %dma_start3A_56 = tpu.memref_slice %arg3[%mul3A_52] : memref<131072xf32, #tpu.memory_space<hbm>> -> memref<8192xf32, #tpu.memory_space<hbm>>
    tpu.enqueue_dma source(%dma_start3A_56 : memref<8192xf32, #tpu.memory_space<hbm>>) target(%arg10 : memref<8192xf32, #tpu.memory_space<vmem>>) target_semaphore(%arg16 : memref<!tpu.dma_semaphore, #tpu.memory_space<semaphore_mem>>)
    %dma_start3A_57 = tpu.memref_slice %arg4[%mul3A_52] : memref<131072xf32, #tpu.memory_space<hbm>> -> memref<8192xf32, #tpu.memory_space<hbm>>
    %dma_start3A_58 = tpu.memref_slice %arg4[%mul3A_52] : memref<131072xf32, #tpu.memory_space<hbm>> -> memref<8192xf32, #tpu.memory_space<hbm>>
    tpu.enqueue_dma source(%dma_start3A_58 : memref<8192xf32, #tpu.memory_space<hbm>>) target(%arg12 : memref<8192xf32, #tpu.memory_space<vmem>>) target_semaphore(%arg16 : memref<!tpu.dma_semaphore, #tpu.memory_space<semaphore_mem>>)
    %scan3A_59 = arith.constant 0 : i32
    %scan3A_60 = arith.constant 0 : i32
    %scan3A_61 = arith.constant 8 : i32
    %scan3A_62 = arith.addi %scan3A_60, %scan3A_61 : i32
    %scan3A_63 = arith.constant 1 : i32
    scf.for %scan3A_94 = %scan3A_60 to %scan3A_62 step %scan3A_63  : i32 {
      %mul3A_95 = arith.constant 2 : i32
      %mul3A_96 = arith.muli %scan3A_94, %mul3A_95 : i32
      %add3A_97 = arith.constant 0 : i32
      %add3A_98 = arith.addi %mul3A_96, %add3A_97 : i32
      %dma_wait3A_99 = arith.constant 0 : i32
      %dma_wait3A_100 = tpu.memref_slice %arg2[%dma_wait3A_99] : memref<131072xi32, #tpu.memory_space<hbm>> -> memref<8192xi32, #tpu.memory_space<hbm>>
      %dma_wait3A_101 = arith.constant 0 : i32
      %dma_wait3A_102 = tpu.memref_slice %arg2[%dma_wait3A_101] : memref<131072xi32, #tpu.memory_space<hbm>> -> memref<8192xi32, #tpu.memory_space<hbm>>
      tpu.wait_dma2 semaphore(%arg15 : memref<!tpu.dma_semaphore, #tpu.memory_space<semaphore_mem>>) src(%dma_wait3A_102 : memref<8192xi32, #tpu.memory_space<hbm>>) dst(%arg7 : memref<8192xi32, #tpu.memory_space<vmem>>)
      %dma_wait3A_103 = arith.constant 0 : i32
      %dma_wait3A_104 = tpu.memref_slice %arg3[%dma_wait3A_103] : memref<131072xf32, #tpu.memory_space<hbm>> -> memref<8192xf32, #tpu.memory_space<hbm>>
      %dma_wait3A_105 = arith.constant 0 : i32
      %dma_wait3A_106 = tpu.memref_slice %arg3[%dma_wait3A_105] : memref<131072xf32, #tpu.memory_space<hbm>> -> memref<8192xf32, #tpu.memory_space<hbm>>
      tpu.wait_dma2 semaphore(%arg15 : memref<!tpu.dma_semaphore, #tpu.memory_space<semaphore_mem>>) src(%dma_wait3A_106 : memref<8192xf32, #tpu.memory_space<hbm>>) dst(%arg9 : memref<8192xf32, #tpu.memory_space<vmem>>)
      %dma_wait3A_107 = arith.constant 0 : i32
      %dma_wait3A_108 = tpu.memref_slice %arg4[%dma_wait3A_107] : memref<131072xf32, #tpu.memory_space<hbm>> -> memref<8192xf32, #tpu.memory_space<hbm>>
      %dma_wait3A_109 = arith.constant 0 : i32
      %dma_wait3A_110 = tpu.memref_slice %arg4[%dma_wait3A_109] : memref<131072xf32, #tpu.memory_space<hbm>> -> memref<8192xf32, #tpu.memory_space<hbm>>
      tpu.wait_dma2 semaphore(%arg15 : memref<!tpu.dma_semaphore, #tpu.memory_space<semaphore_mem>>) src(%dma_wait3A_110 : memref<8192xf32, #tpu.memory_space<hbm>>) dst(%arg11 : memref<8192xf32, #tpu.memory_space<vmem>>)
      %scan3A_111 = arith.constant 0 : i32
      %scan3A_112 = arith.constant 0 : i32
      %scan3A_113 = arith.constant 64 : i32
      %scan3A_114 = arith.addi %scan3A_112, %scan3A_113 : i32
      %scan3A_115 = arith.constant 1 : i32
      scf.for %scan3A_196 = %scan3A_112 to %scan3A_114 step %scan3A_115  : i32 {
        %mul3A_197 = arith.constant 8 : i32
        %mul3A_198 = arith.muli %scan3A_196, %mul3A_197 : i32
        %add3A_199 = arith.constant 0 : i32
        %add3A_200 = arith.addi %mul3A_198, %add3A_199 : i32
        %mul3A_201 = arith.constant 16 : i32
        %mul3A_202 = arith.muli %add3A_200, %mul3A_201 : i32
        %get3A = arith.index_cast %mul3A_202 : i32 to index
        %get3A_203 = tpu.vector_load %arg7[%get3A] {strides = array<i32>} : memref<8192xi32, #tpu.memory_space<vmem>>, vector<16xi32>,
        %and3A_204 = arith.constant 131071 : i32
        %and3A_205 = vector.broadcast %and3A_204 : i32 to vector<16xi32>
        %and3A_206 = arith.andi %get3A_203, %and3A_205 : vector<16xi32>
        %shift_right_arithmetic3A = arith.constant 12 : i32
        %shift_right_arithmetic3A_207 = vector.broadcast %shift_right_arithmetic3A : i32 to vector<16xi32>
        %shift_right_arithmetic3A_208 = arith.shrsi %and3A_206, %shift_right_arithmetic3A_207 : vector<16xi32>
        %eq3A_209 = vector.broadcast %add3A : i32 to vector<16xi32>
        %eq3A_210 = arith.cmpi eq, %shift_right_arithmetic3A_208, %eq3A_209 : vector<16xi32>
        %and3A_211 = arith.constant 4095 : i32
        %and3A_212 = vector.broadcast %and3A_211 : i32 to vector<16xi32>
        %and3A_213 = arith.andi %and3A_206, %and3A_212 : vector<16xi32>
        %shift_right_arithmetic3A_214 = arith.constant 17 : i32
        %shift_right_arithmetic3A_215 = vector.broadcast %shift_right_arithmetic3A_214 : i32 to vector<16xi32>
        %shift_right_arithmetic3A_216 = arith.shrsi %get3A_203, %shift_right_arithmetic3A_215 : vector<16xi32>
        %get3A_217 = arith.index_cast %mul3A_202 : i32 to index
        %get3A_218 = tpu.vector_load %arg9[%get3A_217] {strides = array<i32>} : memref<8192xf32, #tpu.memory_space<vmem>>, vector<16xf32>,
        %get3A_219 = arith.index_cast %mul3A_202 : i32 to index
        %get3A_220 = tpu.vector_load %arg11[%get3A_219] {strides = array<i32>} : memref<8192xf32, #tpu.memory_space<vmem>>, vector<16xf32>,
        %and3A_221 = arith.constant 2048 : i32
        %and3A_222 = vector.broadcast %and3A_221 : i32 to vector<16xi32>
        %and3A_223 = arith.andi %and3A_213, %and3A_222 : vector<16xi32>
        %shift_left3A = arith.constant 1 : i32
        %shift_left3A_224 = vector.broadcast %shift_left3A : i32 to vector<16xi32>
        %shift_left3A_225 = arith.shli %and3A_223, %shift_left3A_224 : vector<16xi32>
        %and3A_226 = arith.constant 2047 : i32
        %and3A_227 = vector.broadcast %and3A_226 : i32 to vector<16xi32>
        %and3A_228 = arith.andi %and3A_213, %and3A_227 : vector<16xi32>
        %or3A = arith.ori %shift_left3A_225, %and3A_228 : vector<16xi32>
        tpu.vector_store_idx %arg13[%or3A], %get3A_218 masked %eq3A_210 : memref<8192xf32, #tpu.memory_space<vmem>>[vector<16xi32>], vector<16xf32>, vector<16xi1>
        %add3A_229 = arith.constant 2048 : i32
        %add3A_230 = vector.broadcast %add3A_229 : i32 to vector<16xi32>
        %add3A_231 = arith.addi %or3A, %add3A_230 : vector<16xi32>
        tpu.vector_store_idx %arg13[%add3A_231], %get3A_220 masked %eq3A_210 : memref<8192xf32, #tpu.memory_space<vmem>>[vector<16xi32>], vector<16xf32>, vector<16xi1>
        tpu.vector_store_idx %arg14[%and3A_213], %shift_right_arithmetic3A_216 masked %eq3A_210 : memref<4096xi32, #tpu.memory_space<vmem>>[vector<16xi32>], vector<16xi32>, vector<16xi1>
        %mul3A_232 = arith.constant 8 : i32
        %mul3A_233 = arith.muli %scan3A_196, %mul3A_232 : i32
        %add3A_234 = arith.constant 1 : i32
        %add3A_235 = arith.addi %mul3A_233, %add3A_234 : i32
        %mul3A_236 = arith.constant 16 : i32
        %mul3A_237 = arith.muli %add3A_235, %mul3A_236 : i32
        %get3A_238 = arith.index_cast %mul3A_237 : i32 to index
        %get3A_239 = tpu.vector_load %arg7[%get3A_238] {strides = array<i32>} : memref<8192xi32, #tpu.memory_space<vmem>>, vector<16xi32>,
        %and3A_240 = arith.constant 131071 : i32
        %and3A_241 = vector.broadcast %and3A_240 : i32 to vector<16xi32>
        %and3A_242 = arith.andi %get3A_239, %and3A_241 : vector<16xi32>
        %shift_right_arithmetic3A_243 = arith.constant 12 : i32
        %shift_right_arithmetic3A_244 = vector.broadcast %shift_right_arithmetic3A_243 : i32 to vector<16xi32>
        %shift_right_arithmetic3A_245 = arith.shrsi %and3A_242, %shift_right_arithmetic3A_244 : vector<16xi32>
        %eq3A_246 = vector.broadcast %add3A : i32 to vector<16xi32>
        %eq3A_247 = arith.cmpi eq, %shift_right_arithmetic3A_245, %eq3A_246 : vector<16xi32>
        %and3A_248 = arith.constant 4095 : i32
        %and3A_249 = vector.broadcast %and3A_248 : i32 to vector<16xi32>
        %and3A_250 = arith.andi %and3A_242, %and3A_249 : vector<16xi32>
        %shift_right_arithmetic3A_251 = arith.constant 17 : i32
        %shift_right_arithmetic3A_252 = vector.broadcast %shift_right_arithmetic3A_251 : i32 to vector<16xi32>
        %shift_right_arithmetic3A_253 = arith.shrsi %get3A_239, %shift_right_arithmetic3A_252 : vector<16xi32>
        %get3A_254 = arith.index_cast %mul3A_237 : i32 to index
        %get3A_255 = tpu.vector_load %arg9[%get3A_254] {strides = array<i32>} : memref<8192xf32, #tpu.memory_space<vmem>>, vector<16xf32>,
        %get3A_256 = arith.index_cast %mul3A_237 : i32 to index
        %get3A_257 = tpu.vector_load %arg11[%get3A_256] {strides = array<i32>} : memref<8192xf32, #tpu.memory_space<vmem>>, vector<16xf32>,
        %and3A_258 = arith.constant 2048 : i32
        %and3A_259 = vector.broadcast %and3A_258 : i32 to vector<16xi32>
        %and3A_260 = arith.andi %and3A_250, %and3A_259 : vector<16xi32>
        %shift_left3A_261 = arith.constant 1 : i32
        %shift_left3A_262 = vector.broadcast %shift_left3A_261 : i32 to vector<16xi32>
        %shift_left3A_263 = arith.shli %and3A_260, %shift_left3A_262 : vector<16xi32>
        %and3A_264 = arith.constant 2047 : i32
        %and3A_265 = vector.broadcast %and3A_264 : i32 to vector<16xi32>
        %and3A_266 = arith.andi %and3A_250, %and3A_265 : vector<16xi32>
        %or3A_267 = arith.ori %shift_left3A_263, %and3A_266 : vector<16xi32>
        tpu.vector_store_idx %arg13[%or3A_267], %get3A_255 masked %eq3A_247 : memref<8192xf32, #tpu.memory_space<vmem>>[vector<16xi32>], vector<16xf32>, vector<16xi1>
        %add3A_268 = arith.constant 2048 : i32
        %add3A_269 = vector.broadcast %add3A_268 : i32 to vector<16xi32>
        %add3A_270 = arith.addi %or3A_267, %add3A_269 : vector<16xi32>
        tpu.vector_store_idx %arg13[%add3A_270], %get3A_257 masked %eq3A_247 : memref<8192xf32, #tpu.memory_space<vmem>>[vector<16xi32>], vector<16xf32>, vector<16xi1>
        tpu.vector_store_idx %arg14[%and3A_250], %shift_right_arithmetic3A_253 masked %eq3A_247 : memref<4096xi32, #tpu.memory_space<vmem>>[vector<16xi32>], vector<16xi32>, vector<16xi1>
        %mul3A_271 = arith.constant 8 : i32
        %mul3A_272 = arith.muli %scan3A_196, %mul3A_271 : i32
        %add3A_273 = arith.constant 2 : i32
        %add3A_274 = arith.addi %mul3A_272, %add3A_273 : i32
        %mul3A_275 = arith.constant 16 : i32
        %mul3A_276 = arith.muli %add3A_274, %mul3A_275 : i32
        %get3A_277 = arith.index_cast %mul3A_276 : i32 to index
        %get3A_278 = tpu.vector_load %arg7[%get3A_277] {strides = array<i32>} : memref<8192xi32, #tpu.memory_space<vmem>>, vector<16xi32>,
        %and3A_279 = arith.constant 131071 : i32
        %and3A_280 = vector.broadcast %and3A_279 : i32 to vector<16xi32>
        %and3A_281 = arith.andi %get3A_278, %and3A_280 : vector<16xi32>
        %shift_right_arithmetic3A_282 = arith.constant 12 : i32
        %shift_right_arithmetic3A_283 = vector.broadcast %shift_right_arithmetic3A_282 : i32 to vector<16xi32>
        %shift_right_arithmetic3A_284 = arith.shrsi %and3A_281, %shift_right_arithmetic3A_283 : vector<16xi32>
        %eq3A_285 = vector.broadcast %add3A : i32 to vector<16xi32>
        %eq3A_286 = arith.cmpi eq, %shift_right_arithmetic3A_284, %eq3A_285 : vector<16xi32>
        %and3A_287 = arith.constant 4095 : i32
        %and3A_288 = vector.broadcast %and3A_287 : i32 to vector<16xi32>
        %and3A_289 = arith.andi %and3A_281, %and3A_288 : vector<16xi32>
        %shift_right_arithmetic3A_290 = arith.constant 17 : i32
        %shift_right_arithmetic3A_291 = vector.broadcast %shift_right_arithmetic3A_290 : i32 to vector<16xi32>
        %shift_right_arithmetic3A_292 = arith.shrsi %get3A_278, %shift_right_arithmetic3A_291 : vector<16xi32>
        %get3A_293 = arith.index_cast %mul3A_276 : i32 to index
        %get3A_294 = tpu.vector_load %arg9[%get3A_293] {strides = array<i32>} : memref<8192xf32, #tpu.memory_space<vmem>>, vector<16xf32>,
        %get3A_295 = arith.index_cast %mul3A_276 : i32 to index
        %get3A_296 = tpu.vector_load %arg11[%get3A_295] {strides = array<i32>} : memref<8192xf32, #tpu.memory_space<vmem>>, vector<16xf32>,
        %and3A_297 = arith.constant 2048 : i32
        %and3A_298 = vector.broadcast %and3A_297 : i32 to vector<16xi32>
        %and3A_299 = arith.andi %and3A_289, %and3A_298 : vector<16xi32>
        %shift_left3A_300 = arith.constant 1 : i32
        %shift_left3A_301 = vector.broadcast %shift_left3A_300 : i32 to vector<16xi32>
        %shift_left3A_302 = arith.shli %and3A_299, %shift_left3A_301 : vector<16xi32>
        %and3A_303 = arith.constant 2047 : i32
        %and3A_304 = vector.broadcast %and3A_303 : i32 to vector<16xi32>
        %and3A_305 = arith.andi %and3A_289, %and3A_304 : vector<16xi32>
        %or3A_306 = arith.ori %shift_left3A_302, %and3A_305 : vector<16xi32>
        tpu.vector_store_idx %arg13[%or3A_306], %get3A_294 masked %eq3A_286 : memref<8192xf32, #tpu.memory_space<vmem>>[vector<16xi32>], vector<16xf32>, vector<16xi1>
        %add3A_307 = arith.constant 2048 : i32
        %add3A_308 = vector.broadcast %add3A_307 : i32 to vector<16xi32>
        %add3A_309 = arith.addi %or3A_306, %add3A_308 : vector<16xi32>
        tpu.vector_store_idx %arg13[%add3A_309], %get3A_296 masked %eq3A_286 : memref<8192xf32, #tpu.memory_space<vmem>>[vector<16xi32>], vector<16xf32>, vector<16xi1>
        tpu.vector_store_idx %arg14[%and3A_289], %shift_right_arithmetic3A_292 masked %eq3A_286 : memref<4096xi32, #tpu.memory_space<vmem>>[vector<16xi32>], vector<16xi32>, vector<16xi1>
        %mul3A_310 = arith.constant 8 : i32
        %mul3A_311 = arith.muli %scan3A_196, %mul3A_310 : i32
        %add3A_312 = arith.constant 3 : i32
        %add3A_313 = arith.addi %mul3A_311, %add3A_312 : i32
        %mul3A_314 = arith.constant 16 : i32
        %mul3A_315 = arith.muli %add3A_313, %mul3A_314 : i32
        %get3A_316 = arith.index_cast %mul3A_315 : i32 to index
        %get3A_317 = tpu.vector_load %arg7[%get3A_316] {strides = array<i32>} : memref<8192xi32, #tpu.memory_space<vmem>>, vector<16xi32>,
        %and3A_318 = arith.constant 131071 : i32
        %and3A_319 = vector.broadcast %and3A_318 : i32 to vector<16xi32>
        %and3A_320 = arith.andi %get3A_317, %and3A_319 : vector<16xi32>
        %shift_right_arithmetic3A_321 = arith.constant 12 : i32
        %shift_right_arithmetic3A_322 = vector.broadcast %shift_right_arithmetic3A_321 : i32 to vector<16xi32>
        %shift_right_arithmetic3A_323 = arith.shrsi %and3A_320, %shift_right_arithmetic3A_322 : vector<16xi32>
        %eq3A_324 = vector.broadcast %add3A : i32 to vector<16xi32>
        %eq3A_325 = arith.cmpi eq, %shift_right_arithmetic3A_323, %eq3A_324 : vector<16xi32>
        %and3A_326 = arith.constant 4095 : i32
        %and3A_327 = vector.broadcast %and3A_326 : i32 to vector<16xi32>
        %and3A_328 = arith.andi %and3A_320, %and3A_327 : vector<16xi32>
        %shift_right_arithmetic3A_329 = arith.constant 17 : i32
        %shift_right_arithmetic3A_330 = vector.broadcast %shift_right_arithmetic3A_329 : i32 to vector<16xi32>
        %shift_right_arithmetic3A_331 = arith.shrsi %get3A_317, %shift_right_arithmetic3A_330 : vector<16xi32>
        %get3A_332 = arith.index_cast %mul3A_315 : i32 to index
        %get3A_333 = tpu.vector_load %arg9[%get3A_332] {strides = array<i32>} : memref<8192xf32, #tpu.memory_space<vmem>>, vector<16xf32>,
        %get3A_334 = arith.index_cast %mul3A_315 : i32 to index
        %get3A_335 = tpu.vector_load %arg11[%get3A_334] {strides = array<i32>} : memref<8192xf32, #tpu.memory_space<vmem>>, vector<16xf32>,
        %and3A_336 = arith.constant 2048 : i32
        %and3A_337 = vector.broadcast %and3A_336 : i32 to vector<16xi32>
        %and3A_338 = arith.andi %and3A_328, %and3A_337 : vector<16xi32>
        %shift_left3A_339 = arith.constant 1 : i32
        %shift_left3A_340 = vector.broadcast %shift_left3A_339 : i32 to vector<16xi32>
        %shift_left3A_341 = arith.shli %and3A_338, %shift_left3A_340 : vector<16xi32>
        %and3A_342 = arith.constant 2047 : i32
        %and3A_343 = vector.broadcast %and3A_342 : i32 to vector<16xi32>
        %and3A_344 = arith.andi %and3A_328, %and3A_343 : vector<16xi32>
        %or3A_345 = arith.ori %shift_left3A_341, %and3A_344 : vector<16xi32>
        tpu.vector_store_idx %arg13[%or3A_345], %get3A_333 masked %eq3A_325 : memref<8192xf32, #tpu.memory_space<vmem>>[vector<16xi32>], vector<16xf32>, vector<16xi1>
        %add3A_346 = arith.constant 2048 : i32
        %add3A_347 = vector.broadcast %add3A_346 : i32 to vector<16xi32>
        %add3A_348 = arith.addi %or3A_345, %add3A_347 : vector<16xi32>
        tpu.vector_store_idx %arg13[%add3A_348], %get3A_335 masked %eq3A_325 : memref<8192xf32, #tpu.memory_space<vmem>>[vector<16xi32>], vector<16xf32>, vector<16xi1>
        tpu.vector_store_idx %arg14[%and3A_328], %shift_right_arithmetic3A_331 masked %eq3A_325 : memref<4096xi32, #tpu.memory_space<vmem>>[vector<16xi32>], vector<16xi32>, vector<16xi1>
        %mul3A_349 = arith.constant 8 : i32
        %mul3A_350 = arith.muli %scan3A_196, %mul3A_349 : i32
        %add3A_351 = arith.constant 4 : i32
        %add3A_352 = arith.addi %mul3A_350, %add3A_351 : i32
        %mul3A_353 = arith.constant 16 : i32
        %mul3A_354 = arith.muli %add3A_352, %mul3A_353 : i32
        %get3A_355 = arith.index_cast %mul3A_354 : i32 to index
        %get3A_356 = tpu.vector_load %arg7[%get3A_355] {strides = array<i32>} : memref<8192xi32, #tpu.memory_space<vmem>>, vector<16xi32>,
        %and3A_357 = arith.constant 131071 : i32
        %and3A_358 = vector.broadcast %and3A_357 : i32 to vector<16xi32>
        %and3A_359 = arith.andi %get3A_356, %and3A_358 : vector<16xi32>
        %shift_right_arithmetic3A_360 = arith.constant 12 : i32
        %shift_right_arithmetic3A_361 = vector.broadcast %shift_right_arithmetic3A_360 : i32 to vector<16xi32>
        %shift_right_arithmetic3A_362 = arith.shrsi %and3A_359, %shift_right_arithmetic3A_361 : vector<16xi32>
        %eq3A_363 = vector.broadcast %add3A : i32 to vector<16xi32>
        %eq3A_364 = arith.cmpi eq, %shift_right_arithmetic3A_362, %eq3A_363 : vector<16xi32>
        %and3A_365 = arith.constant 4095 : i32
        %and3A_366 = vector.broadcast %and3A_365 : i32 to vector<16xi32>
        %and3A_367 = arith.andi %and3A_359, %and3A_366 : vector<16xi32>
        %shift_right_arithmetic3A_368 = arith.constant 17 : i32
        %shift_right_arithmetic3A_369 = vector.broadcast %shift_right_arithmetic3A_368 : i32 to vector<16xi32>
        %shift_right_arithmetic3A_370 = arith.shrsi %get3A_356, %shift_right_arithmetic3A_369 : vector<16xi32>
        %get3A_371 = arith.index_cast %mul3A_354 : i32 to index
        %get3A_372 = tpu.vector_load %arg9[%get3A_371] {strides = array<i32>} : memref<8192xf32, #tpu.memory_space<vmem>>, vector<16xf32>,
        %get3A_373 = arith.index_cast %mul3A_354 : i32 to index
        %get3A_374 = tpu.vector_load %arg11[%get3A_373] {strides = array<i32>} : memref<8192xf32, #tpu.memory_space<vmem>>, vector<16xf32>,
        %and3A_375 = arith.constant 2048 : i32
        %and3A_376 = vector.broadcast %and3A_375 : i32 to vector<16xi32>
        %and3A_377 = arith.andi %and3A_367, %and3A_376 : vector<16xi32>
        %shift_left3A_378 = arith.constant 1 : i32
        %shift_left3A_379 = vector.broadcast %shift_left3A_378 : i32 to vector<16xi32>
        %shift_left3A_380 = arith.shli %and3A_377, %shift_left3A_379 : vector<16xi32>
        %and3A_381 = arith.constant 2047 : i32
        %and3A_382 = vector.broadcast %and3A_381 : i32 to vector<16xi32>
        %and3A_383 = arith.andi %and3A_367, %and3A_382 : vector<16xi32>
        %or3A_384 = arith.ori %shift_left3A_380, %and3A_383 : vector<16xi32>
        tpu.vector_store_idx %arg13[%or3A_384], %get3A_372 masked %eq3A_364 : memref<8192xf32, #tpu.memory_space<vmem>>[vector<16xi32>], vector<16xf32>, vector<16xi1>
        %add3A_385 = arith.constant 2048 : i32
        %add3A_386 = vector.broadcast %add3A_385 : i32 to vector<16xi32>
        %add3A_387 = arith.addi %or3A_384, %add3A_386 : vector<16xi32>
        tpu.vector_store_idx %arg13[%add3A_387], %get3A_374 masked %eq3A_364 : memref<8192xf32, #tpu.memory_space<vmem>>[vector<16xi32>], vector<16xf32>, vector<16xi1>
        tpu.vector_store_idx %arg14[%and3A_367], %shift_right_arithmetic3A_370 masked %eq3A_364 : memref<4096xi32, #tpu.memory_space<vmem>>[vector<16xi32>], vector<16xi32>, vector<16xi1>
        %mul3A_388 = arith.constant 8 : i32
        %mul3A_389 = arith.muli %scan3A_196, %mul3A_388 : i32
        %add3A_390 = arith.constant 5 : i32
        %add3A_391 = arith.addi %mul3A_389, %add3A_390 : i32
        %mul3A_392 = arith.constant 16 : i32
        %mul3A_393 = arith.muli %add3A_391, %mul3A_392 : i32
        %get3A_394 = arith.index_cast %mul3A_393 : i32 to index
        %get3A_395 = tpu.vector_load %arg7[%get3A_394] {strides = array<i32>} : memref<8192xi32, #tpu.memory_space<vmem>>, vector<16xi32>,
        %and3A_396 = arith.constant 131071 : i32
        %and3A_397 = vector.broadcast %and3A_396 : i32 to vector<16xi32>
        %and3A_398 = arith.andi %get3A_395, %and3A_397 : vector<16xi32>
        %shift_right_arithmetic3A_399 = arith.constant 12 : i32
        %shift_right_arithmetic3A_400 = vector.broadcast %shift_right_arithmetic3A_399 : i32 to vector<16xi32>
        %shift_right_arithmetic3A_401 = arith.shrsi %and3A_398, %shift_right_arithmetic3A_400 : vector<16xi32>
        %eq3A_402 = vector.broadcast %add3A : i32 to vector<16xi32>
        %eq3A_403 = arith.cmpi eq, %shift_right_arithmetic3A_401, %eq3A_402 : vector<16xi32>
        %and3A_404 = arith.constant 4095 : i32
        %and3A_405 = vector.broadcast %and3A_404 : i32 to vector<16xi32>
        %and3A_406 = arith.andi %and3A_398, %and3A_405 : vector<16xi32>
        %shift_right_arithmetic3A_407 = arith.constant 17 : i32
        %shift_right_arithmetic3A_408 = vector.broadcast %shift_right_arithmetic3A_407 : i32 to vector<16xi32>
        %shift_right_arithmetic3A_409 = arith.shrsi %get3A_395, %shift_right_arithmetic3A_408 : vector<16xi32>
        %get3A_410 = arith.index_cast %mul3A_393 : i32 to index
        %get3A_411 = tpu.vector_load %arg9[%get3A_410] {strides = array<i32>} : memref<8192xf32, #tpu.memory_space<vmem>>, vector<16xf32>,
        %get3A_412 = arith.index_cast %mul3A_393 : i32 to index
        %get3A_413 = tpu.vector_load %arg11[%get3A_412] {strides = array<i32>} : memref<8192xf32, #tpu.memory_space<vmem>>, vector<16xf32>,
        %and3A_414 = arith.constant 2048 : i32
        %and3A_415 = vector.broadcast %and3A_414 : i32 to vector<16xi32>
        %and3A_416 = arith.andi %and3A_406, %and3A_415 : vector<16xi32>
        %shift_left3A_417 = arith.constant 1 : i32
        %shift_left3A_418 = vector.broadcast %shift_left3A_417 : i32 to vector<16xi32>
        %shift_left3A_419 = arith.shli %and3A_416, %shift_left3A_418 : vector<16xi32>
        %and3A_420 = arith.constant 2047 : i32
        %and3A_421 = vector.broadcast %and3A_420 : i32 to vector<16xi32>
        %and3A_422 = arith.andi %and3A_406, %and3A_421 : vector<16xi32>
        %or3A_423 = arith.ori %shift_left3A_419, %and3A_422 : vector<16xi32>
        tpu.vector_store_idx %arg13[%or3A_423], %get3A_411 masked %eq3A_403 : memref<8192xf32, #tpu.memory_space<vmem>>[vector<16xi32>], vector<16xf32>, vector<16xi1>
        %add3A_424 = arith.constant 2048 : i32
        %add3A_425 = vector.broadcast %add3A_424 : i32 to vector<16xi32>
        %add3A_426 = arith.addi %or3A_423, %add3A_425 : vector<16xi32>
        tpu.vector_store_idx %arg13[%add3A_426], %get3A_413 masked %eq3A_403 : memref<8192xf32, #tpu.memory_space<vmem>>[vector<16xi32>], vector<16xf32>, vector<16xi1>
        tpu.vector_store_idx %arg14[%and3A_406], %shift_right_arithmetic3A_409 masked %eq3A_403 : memref<4096xi32, #tpu.memory_space<vmem>>[vector<16xi32>], vector<16xi32>, vector<16xi1>
        %mul3A_427 = arith.constant 8 : i32
        %mul3A_428 = arith.muli %scan3A_196, %mul3A_427 : i32
        %add3A_429 = arith.constant 6 : i32
        %add3A_430 = arith.addi %mul3A_428, %add3A_429 : i32
        %mul3A_431 = arith.constant 16 : i32
        %mul3A_432 = arith.muli %add3A_430, %mul3A_431 : i32
        %get3A_433 = arith.index_cast %mul3A_432 : i32 to index
        %get3A_434 = tpu.vector_load %arg7[%get3A_433] {strides = array<i32>} : memref<8192xi32, #tpu.memory_space<vmem>>, vector<16xi32>,
        %and3A_435 = arith.constant 131071 : i32
        %and3A_436 = vector.broadcast %and3A_435 : i32 to vector<16xi32>
        %and3A_437 = arith.andi %get3A_434, %and3A_436 : vector<16xi32>
        %shift_right_arithmetic3A_438 = arith.constant 12 : i32
        %shift_right_arithmetic3A_439 = vector.broadcast %shift_right_arithmetic3A_438 : i32 to vector<16xi32>
        %shift_right_arithmetic3A_440 = arith.shrsi %and3A_437, %shift_right_arithmetic3A_439 : vector<16xi32>
        %eq3A_441 = vector.broadcast %add3A : i32 to vector<16xi32>
        %eq3A_442 = arith.cmpi eq, %shift_right_arithmetic3A_440, %eq3A_441 : vector<16xi32>
        %and3A_443 = arith.constant 4095 : i32
        %and3A_444 = vector.broadcast %and3A_443 : i32 to vector<16xi32>
        %and3A_445 = arith.andi %and3A_437, %and3A_444 : vector<16xi32>
        %shift_right_arithmetic3A_446 = arith.constant 17 : i32
        %shift_right_arithmetic3A_447 = vector.broadcast %shift_right_arithmetic3A_446 : i32 to vector<16xi32>
        %shift_right_arithmetic3A_448 = arith.shrsi %get3A_434, %shift_right_arithmetic3A_447 : vector<16xi32>
        %get3A_449 = arith.index_cast %mul3A_432 : i32 to index
        %get3A_450 = tpu.vector_load %arg9[%get3A_449] {strides = array<i32>} : memref<8192xf32, #tpu.memory_space<vmem>>, vector<16xf32>,
        %get3A_451 = arith.index_cast %mul3A_432 : i32 to index
        %get3A_452 = tpu.vector_load %arg11[%get3A_451] {strides = array<i32>} : memref<8192xf32, #tpu.memory_space<vmem>>, vector<16xf32>,
        %and3A_453 = arith.constant 2048 : i32
        %and3A_454 = vector.broadcast %and3A_453 : i32 to vector<16xi32>
        %and3A_455 = arith.andi %and3A_445, %and3A_454 : vector<16xi32>
        %shift_left3A_456 = arith.constant 1 : i32
        %shift_left3A_457 = vector.broadcast %shift_left3A_456 : i32 to vector<16xi32>
        %shift_left3A_458 = arith.shli %and3A_455, %shift_left3A_457 : vector<16xi32>
        %and3A_459 = arith.constant 2047 : i32
        %and3A_460 = vector.broadcast %and3A_459 : i32 to vector<16xi32>
        %and3A_461 = arith.andi %and3A_445, %and3A_460 : vector<16xi32>
        %or3A_462 = arith.ori %shift_left3A_458, %and3A_461 : vector<16xi32>
        tpu.vector_store_idx %arg13[%or3A_462], %get3A_450 masked %eq3A_442 : memref<8192xf32, #tpu.memory_space<vmem>>[vector<16xi32>], vector<16xf32>, vector<16xi1>
        %add3A_463 = arith.constant 2048 : i32
        %add3A_464 = vector.broadcast %add3A_463 : i32 to vector<16xi32>
        %add3A_465 = arith.addi %or3A_462, %add3A_464 : vector<16xi32>
        tpu.vector_store_idx %arg13[%add3A_465], %get3A_452 masked %eq3A_442 : memref<8192xf32, #tpu.memory_space<vmem>>[vector<16xi32>], vector<16xf32>, vector<16xi1>
        tpu.vector_store_idx %arg14[%and3A_445], %shift_right_arithmetic3A_448 masked %eq3A_442 : memref<4096xi32, #tpu.memory_space<vmem>>[vector<16xi32>], vector<16xi32>, vector<16xi1>
        %mul3A_466 = arith.constant 8 : i32
        %mul3A_467 = arith.muli %scan3A_196, %mul3A_466 : i32
        %add3A_468 = arith.constant 7 : i32
        %add3A_469 = arith.addi %mul3A_467, %add3A_468 : i32
        %mul3A_470 = arith.constant 16 : i32
        %mul3A_471 = arith.muli %add3A_469, %mul3A_470 : i32
        %get3A_472 = arith.index_cast %mul3A_471 : i32 to index
        %get3A_473 = tpu.vector_load %arg7[%get3A_472] {strides = array<i32>} : memref<8192xi32, #tpu.memory_space<vmem>>, vector<16xi32>,
        %and3A_474 = arith.constant 131071 : i32
        %and3A_475 = vector.broadcast %and3A_474 : i32 to vector<16xi32>
        %and3A_476 = arith.andi %get3A_473, %and3A_475 : vector<16xi32>
        %shift_right_arithmetic3A_477 = arith.constant 12 : i32
        %shift_right_arithmetic3A_478 = vector.broadcast %shift_right_arithmetic3A_477 : i32 to vector<16xi32>
        %shift_right_arithmetic3A_479 = arith.shrsi %and3A_476, %shift_right_arithmetic3A_478 : vector<16xi32>
        %eq3A_480 = vector.broadcast %add3A : i32 to vector<16xi32>
        %eq3A_481 = arith.cmpi eq, %shift_right_arithmetic3A_479, %eq3A_480 : vector<16xi32>
        %and3A_482 = arith.constant 4095 : i32
        %and3A_483 = vector.broadcast %and3A_482 : i32 to vector<16xi32>
        %and3A_484 = arith.andi %and3A_476, %and3A_483 : vector<16xi32>
        %shift_right_arithmetic3A_485 = arith.constant 17 : i32
        %shift_right_arithmetic3A_486 = vector.broadcast %shift_right_arithmetic3A_485 : i32 to vector<16xi32>
        %shift_right_arithmetic3A_487 = arith.shrsi %get3A_473, %shift_right_arithmetic3A_486 : vector<16xi32>
        %get3A_488 = arith.index_cast %mul3A_471 : i32 to index
        %get3A_489 = tpu.vector_load %arg9[%get3A_488] {strides = array<i32>} : memref<8192xf32, #tpu.memory_space<vmem>>, vector<16xf32>,
        %get3A_490 = arith.index_cast %mul3A_471 : i32 to index
        %get3A_491 = tpu.vector_load %arg11[%get3A_490] {strides = array<i32>} : memref<8192xf32, #tpu.memory_space<vmem>>, vector<16xf32>,
        %and3A_492 = arith.constant 2048 : i32
        %and3A_493 = vector.broadcast %and3A_492 : i32 to vector<16xi32>
        %and3A_494 = arith.andi %and3A_484, %and3A_493 : vector<16xi32>
        %shift_left3A_495 = arith.constant 1 : i32
        %shift_left3A_496 = vector.broadcast %shift_left3A_495 : i32 to vector<16xi32>
        %shift_left3A_497 = arith.shli %and3A_494, %shift_left3A_496 : vector<16xi32>
        %and3A_498 = arith.constant 2047 : i32
        %and3A_499 = vector.broadcast %and3A_498 : i32 to vector<16xi32>
        %and3A_500 = arith.andi %and3A_484, %and3A_499 : vector<16xi32>
        %or3A_501 = arith.ori %shift_left3A_497, %and3A_500 : vector<16xi32>
        tpu.vector_store_idx %arg13[%or3A_501], %get3A_489 masked %eq3A_481 : memref<8192xf32, #tpu.memory_space<vmem>>[vector<16xi32>], vector<16xf32>, vector<16xi1>
        %add3A_502 = arith.constant 2048 : i32
        %add3A_503 = vector.broadcast %add3A_502 : i32 to vector<16xi32>
        %add3A_504 = arith.addi %or3A_501, %add3A_503 : vector<16xi32>
        tpu.vector_store_idx %arg13[%add3A_504], %get3A_491 masked %eq3A_481 : memref<8192xf32, #tpu.memory_space<vmem>>[vector<16xi32>], vector<16xf32>, vector<16xi1>
        tpu.vector_store_idx %arg14[%and3A_484], %shift_right_arithmetic3A_487 masked %eq3A_481 : memref<4096xi32, #tpu.memory_space<vmem>>[vector<16xi32>], vector<16xi32>, vector<16xi1>
      }
      %scan3A_116 = arith.constant 64 : i32
      %add3A_117 = arith.constant 2 : i32
      %add3A_118 = arith.addi %add3A_98, %add3A_117 : i32
      %min3A = arith.constant 15 : i32
      %min3A_119 = arith.minsi %add3A_118, %min3A : i32
      %add3A_120 = arith.addi %min3A_119, %add3A : i32
      %jit3A_121 = arith.constant 16 : i32
      %eq3A_122 = arith.constant 0 : i32
      %eq3A_123 = arith.cmpi eq, %jit3A_121, %eq3A_122 : i32
      %jit3A_124 = arith.constant 1 : i32
      %select_n3A_125 = arith.select %eq3A_123, %jit3A_124, %jit3A_121 : i32
      %rem3A_126 = arith.remsi %add3A_120, %select_n3A_125 : i32
      %ne3A_127 = arith.constant 0 : i32
      %ne3A_128 = arith.cmpi ne, %rem3A_126, %ne3A_127 : i32
      %lt3A_129 = arith.constant 0 : i32
      %lt3A_130 = arith.cmpi slt, %rem3A_126, %lt3A_129 : i32
      %lt3A_131 = arith.constant 0 : i32
      %lt3A_132 = arith.cmpi slt, %select_n3A_125, %lt3A_131 : i32
      %ne3A_133 = arith.xori %lt3A_130, %lt3A_132 : i1
      %and3A_134 = arith.andi %ne3A_133, %ne3A_128 : i1
      %add3A_135 = arith.addi %rem3A_126, %select_n3A_125 : i32
      %select_n3A_136 = arith.select %and3A_134, %add3A_135, %rem3A_126 : i32
      %mul3A_137 = arith.constant 8192 : i32
      %mul3A_138 = arith.muli %select_n3A_136, %mul3A_137 : i32
      %dma_start3A_139 = tpu.memref_slice %arg2[%mul3A_138] : memref<131072xi32, #tpu.memory_space<hbm>> -> memref<8192xi32, #tpu.memory_space<hbm>>
      %dma_start3A_140 = tpu.memref_slice %arg2[%mul3A_138] : memref<131072xi32, #tpu.memory_space<hbm>> -> memref<8192xi32, #tpu.memory_space<hbm>>
      tpu.enqueue_dma source(%dma_start3A_140 : memref<8192xi32, #tpu.memory_space<hbm>>) target(%arg7 : memref<8192xi32, #tpu.memory_space<vmem>>) target_semaphore(%arg15 : memref<!tpu.dma_semaphore, #tpu.memory_space<semaphore_mem>>)
      %dma_start3A_141 = tpu.memref_slice %arg3[%mul3A_138] : memref<131072xf32, #tpu.memory_space<hbm>> -> memref<8192xf32, #tpu.memory_space<hbm>>
      %dma_start3A_142 = tpu.memref_slice %arg3[%mul3A_138] : memref<131072xf32, #tpu.memory_space<hbm>> -> memref<8192xf32, #tpu.memory_space<hbm>>
      tpu.enqueue_dma source(%dma_start3A_142 : memref<8192xf32, #tpu.memory_space<hbm>>) target(%arg9 : memref<8192xf32, #tpu.memory_space<vmem>>) target_semaphore(%arg15 : memref<!tpu.dma_semaphore, #tpu.memory_space<semaphore_mem>>)
      %dma_start3A_143 = tpu.memref_slice %arg4[%mul3A_138] : memref<131072xf32, #tpu.memory_space<hbm>> -> memref<8192xf32, #tpu.memory_space<hbm>>
      %dma_start3A_144 = tpu.memref_slice %arg4[%mul3A_138] : memref<131072xf32, #tpu.memory_space<hbm>> -> memref<8192xf32, #tpu.memory_space<hbm>>
      tpu.enqueue_dma source(%dma_start3A_144 : memref<8192xf32, #tpu.memory_space<hbm>>) target(%arg11 : memref<8192xf32, #tpu.memory_space<vmem>>) target_semaphore(%arg15 : memref<!tpu.dma_semaphore, #tpu.memory_space<semaphore_mem>>)
      %mul3A_145 = arith.constant 2 : i32
      %mul3A_146 = arith.muli %scan3A_94, %mul3A_145 : i32
      %add3A_147 = arith.constant 1 : i32
      %add3A_148 = arith.addi %mul3A_146, %add3A_147 : i32
      %dma_wait3A_149 = arith.constant 0 : i32
      %dma_wait3A_150 = tpu.memref_slice %arg2[%dma_wait3A_149] : memref<131072xi32, #tpu.memory_space<hbm>> -> memref<8192xi32, #tpu.memory_space<hbm>>
      %dma_wait3A_151 = arith.constant 0 : i32
      %dma_wait3A_152 = tpu.memref_slice %arg2[%dma_wait3A_151] : memref<131072xi32, #tpu.memory_space<hbm>> -> memref<8192xi32, #tpu.memory_space<hbm>>
      tpu.wait_dma2 semaphore(%arg16 : memref<!tpu.dma_semaphore, #tpu.memory_space<semaphore_mem>>) src(%dma_wait3A_152 : memref<8192xi32, #tpu.memory_space<hbm>>) dst(%arg8 : memref<8192xi32, #tpu.memory_space<vmem>>)
      %dma_wait3A_153 = arith.constant 0 : i32
      %dma_wait3A_154 = tpu.memref_slice %arg3[%dma_wait3A_153] : memref<131072xf32, #tpu.memory_space<hbm>> -> memref<8192xf32, #tpu.memory_space<hbm>>
      %dma_wait3A_155 = arith.constant 0 : i32
      %dma_wait3A_156 = tpu.memref_slice %arg3[%dma_wait3A_155] : memref<131072xf32, #tpu.memory_space<hbm>> -> memref<8192xf32, #tpu.memory_space<hbm>>
      tpu.wait_dma2 semaphore(%arg16 : memref<!tpu.dma_semaphore, #tpu.memory_space<semaphore_mem>>) src(%dma_wait3A_156 : memref<8192xf32, #tpu.memory_space<hbm>>) dst(%arg10 : memref<8192xf32, #tpu.memory_space<vmem>>)
      %dma_wait3A_157 = arith.constant 0 : i32
      %dma_wait3A_158 = tpu.memref_slice %arg4[%dma_wait3A_157] : memref<131072xf32, #tpu.memory_space<hbm>> -> memref<8192xf32, #tpu.memory_space<hbm>>
      %dma_wait3A_159 = arith.constant 0 : i32
      %dma_wait3A_160 = tpu.memref_slice %arg4[%dma_wait3A_159] : memref<131072xf32, #tpu.memory_space<hbm>> -> memref<8192xf32, #tpu.memory_space<hbm>>
      tpu.wait_dma2 semaphore(%arg16 : memref<!tpu.dma_semaphore, #tpu.memory_space<semaphore_mem>>) src(%dma_wait3A_160 : memref<8192xf32, #tpu.memory_space<hbm>>) dst(%arg12 : memref<8192xf32, #tpu.memory_space<vmem>>)
      %scan3A_161 = arith.constant 0 : i32
      %scan3A_162 = arith.constant 0 : i32
      %scan3A_163 = arith.constant 64 : i32
      %scan3A_164 = arith.addi %scan3A_162, %scan3A_163 : i32
      %scan3A_165 = arith.constant 1 : i32
      scf.for %scan3A_196 = %scan3A_162 to %scan3A_164 step %scan3A_165  : i32 {
        %mul3A_197 = arith.constant 8 : i32
        %mul3A_198 = arith.muli %scan3A_196, %mul3A_197 : i32
        %add3A_199 = arith.constant 0 : i32
        %add3A_200 = arith.addi %mul3A_198, %add3A_199 : i32
        %mul3A_201 = arith.constant 16 : i32
        %mul3A_202 = arith.muli %add3A_200, %mul3A_201 : i32
        %get3A = arith.index_cast %mul3A_202 : i32 to index
        %get3A_203 = tpu.vector_load %arg8[%get3A] {strides = array<i32>} : memref<8192xi32, #tpu.memory_space<vmem>>, vector<16xi32>,
        %and3A_204 = arith.constant 131071 : i32
        %and3A_205 = vector.broadcast %and3A_204 : i32 to vector<16xi32>
        %and3A_206 = arith.andi %get3A_203, %and3A_205 : vector<16xi32>
        %shift_right_arithmetic3A = arith.constant 12 : i32
        %shift_right_arithmetic3A_207 = vector.broadcast %shift_right_arithmetic3A : i32 to vector<16xi32>
        %shift_right_arithmetic3A_208 = arith.shrsi %and3A_206, %shift_right_arithmetic3A_207 : vector<16xi32>
        %eq3A_209 = vector.broadcast %add3A : i32 to vector<16xi32>
        %eq3A_210 = arith.cmpi eq, %shift_right_arithmetic3A_208, %eq3A_209 : vector<16xi32>
        %and3A_211 = arith.constant 4095 : i32
        %and3A_212 = vector.broadcast %and3A_211 : i32 to vector<16xi32>
        %and3A_213 = arith.andi %and3A_206, %and3A_212 : vector<16xi32>
        %shift_right_arithmetic3A_214 = arith.constant 17 : i32
        %shift_right_arithmetic3A_215 = vector.broadcast %shift_right_arithmetic3A_214 : i32 to vector<16xi32>
        %shift_right_arithmetic3A_216 = arith.shrsi %get3A_203, %shift_right_arithmetic3A_215 : vector<16xi32>
        %get3A_217 = arith.index_cast %mul3A_202 : i32 to index
        %get3A_218 = tpu.vector_load %arg10[%get3A_217] {strides = array<i32>} : memref<8192xf32, #tpu.memory_space<vmem>>, vector<16xf32>,
        %get3A_219 = arith.index_cast %mul3A_202 : i32 to index
        %get3A_220 = tpu.vector_load %arg12[%get3A_219] {strides = array<i32>} : memref<8192xf32, #tpu.memory_space<vmem>>, vector<16xf32>,
        %and3A_221 = arith.constant 2048 : i32
        %and3A_222 = vector.broadcast %and3A_221 : i32 to vector<16xi32>
        %and3A_223 = arith.andi %and3A_213, %and3A_222 : vector<16xi32>
        %shift_left3A = arith.constant 1 : i32
        %shift_left3A_224 = vector.broadcast %shift_left3A : i32 to vector<16xi32>
        %shift_left3A_225 = arith.shli %and3A_223, %shift_left3A_224 : vector<16xi32>
        %and3A_226 = arith.constant 2047 : i32
        %and3A_227 = vector.broadcast %and3A_226 : i32 to vector<16xi32>
        %and3A_228 = arith.andi %and3A_213, %and3A_227 : vector<16xi32>
        %or3A = arith.ori %shift_left3A_225, %and3A_228 : vector<16xi32>
        tpu.vector_store_idx %arg13[%or3A], %get3A_218 masked %eq3A_210 : memref<8192xf32, #tpu.memory_space<vmem>>[vector<16xi32>], vector<16xf32>, vector<16xi1>
        %add3A_229 = arith.constant 2048 : i32
        %add3A_230 = vector.broadcast %add3A_229 : i32 to vector<16xi32>
        %add3A_231 = arith.addi %or3A, %add3A_230 : vector<16xi32>
        tpu.vector_store_idx %arg13[%add3A_231], %get3A_220 masked %eq3A_210 : memref<8192xf32, #tpu.memory_space<vmem>>[vector<16xi32>], vector<16xf32>, vector<16xi1>
        tpu.vector_store_idx %arg14[%and3A_213], %shift_right_arithmetic3A_216 masked %eq3A_210 : memref<4096xi32, #tpu.memory_space<vmem>>[vector<16xi32>], vector<16xi32>, vector<16xi1>
        %mul3A_232 = arith.constant 8 : i32
        %mul3A_233 = arith.muli %scan3A_196, %mul3A_232 : i32
        %add3A_234 = arith.constant 1 : i32
        %add3A_235 = arith.addi %mul3A_233, %add3A_234 : i32
        %mul3A_236 = arith.constant 16 : i32
        %mul3A_237 = arith.muli %add3A_235, %mul3A_236 : i32
        %get3A_238 = arith.index_cast %mul3A_237 : i32 to index
        %get3A_239 = tpu.vector_load %arg8[%get3A_238] {strides = array<i32>} : memref<8192xi32, #tpu.memory_space<vmem>>, vector<16xi32>,
        %and3A_240 = arith.constant 131071 : i32
        %and3A_241 = vector.broadcast %and3A_240 : i32 to vector<16xi32>
        %and3A_242 = arith.andi %get3A_239, %and3A_241 : vector<16xi32>
        %shift_right_arithmetic3A_243 = arith.constant 12 : i32
        %shift_right_arithmetic3A_244 = vector.broadcast %shift_right_arithmetic3A_243 : i32 to vector<16xi32>
        %shift_right_arithmetic3A_245 = arith.shrsi %and3A_242, %shift_right_arithmetic3A_244 : vector<16xi32>
        %eq3A_246 = vector.broadcast %add3A : i32 to vector<16xi32>
        %eq3A_247 = arith.cmpi eq, %shift_right_arithmetic3A_245, %eq3A_246 : vector<16xi32>
        %and3A_248 = arith.constant 4095 : i32
        %and3A_249 = vector.broadcast %and3A_248 : i32 to vector<16xi32>
        %and3A_250 = arith.andi %and3A_242, %and3A_249 : vector<16xi32>
        %shift_right_arithmetic3A_251 = arith.constant 17 : i32
        %shift_right_arithmetic3A_252 = vector.broadcast %shift_right_arithmetic3A_251 : i32 to vector<16xi32>
        %shift_right_arithmetic3A_253 = arith.shrsi %get3A_239, %shift_right_arithmetic3A_252 : vector<16xi32>
        %get3A_254 = arith.index_cast %mul3A_237 : i32 to index
        %get3A_255 = tpu.vector_load %arg10[%get3A_254] {strides = array<i32>} : memref<8192xf32, #tpu.memory_space<vmem>>, vector<16xf32>,
        %get3A_256 = arith.index_cast %mul3A_237 : i32 to index
        %get3A_257 = tpu.vector_load %arg12[%get3A_256] {strides = array<i32>} : memref<8192xf32, #tpu.memory_space<vmem>>, vector<16xf32>,
        %and3A_258 = arith.constant 2048 : i32
        %and3A_259 = vector.broadcast %and3A_258 : i32 to vector<16xi32>
        %and3A_260 = arith.andi %and3A_250, %and3A_259 : vector<16xi32>
        %shift_left3A_261 = arith.constant 1 : i32
        %shift_left3A_262 = vector.broadcast %shift_left3A_261 : i32 to vector<16xi32>
        %shift_left3A_263 = arith.shli %and3A_260, %shift_left3A_262 : vector<16xi32>
        %and3A_264 = arith.constant 2047 : i32
        %and3A_265 = vector.broadcast %and3A_264 : i32 to vector<16xi32>
        %and3A_266 = arith.andi %and3A_250, %and3A_265 : vector<16xi32>
        %or3A_267 = arith.ori %shift_left3A_263, %and3A_266 : vector<16xi32>
        tpu.vector_store_idx %arg13[%or3A_267], %get3A_255 masked %eq3A_247 : memref<8192xf32, #tpu.memory_space<vmem>>[vector<16xi32>], vector<16xf32>, vector<16xi1>
        %add3A_268 = arith.constant 2048 : i32
        %add3A_269 = vector.broadcast %add3A_268 : i32 to vector<16xi32>
        %add3A_270 = arith.addi %or3A_267, %add3A_269 : vector<16xi32>
        tpu.vector_store_idx %arg13[%add3A_270], %get3A_257 masked %eq3A_247 : memref<8192xf32, #tpu.memory_space<vmem>>[vector<16xi32>], vector<16xf32>, vector<16xi1>
        tpu.vector_store_idx %arg14[%and3A_250], %shift_right_arithmetic3A_253 masked %eq3A_247 : memref<4096xi32, #tpu.memory_space<vmem>>[vector<16xi32>], vector<16xi32>, vector<16xi1>
        %mul3A_271 = arith.constant 8 : i32
        %mul3A_272 = arith.muli %scan3A_196, %mul3A_271 : i32
        %add3A_273 = arith.constant 2 : i32
        %add3A_274 = arith.addi %mul3A_272, %add3A_273 : i32
        %mul3A_275 = arith.constant 16 : i32
        %mul3A_276 = arith.muli %add3A_274, %mul3A_275 : i32
        %get3A_277 = arith.index_cast %mul3A_276 : i32 to index
        %get3A_278 = tpu.vector_load %arg8[%get3A_277] {strides = array<i32>} : memref<8192xi32, #tpu.memory_space<vmem>>, vector<16xi32>,
        %and3A_279 = arith.constant 131071 : i32
        %and3A_280 = vector.broadcast %and3A_279 : i32 to vector<16xi32>
        %and3A_281 = arith.andi %get3A_278, %and3A_280 : vector<16xi32>
        %shift_right_arithmetic3A_282 = arith.constant 12 : i32
        %shift_right_arithmetic3A_283 = vector.broadcast %shift_right_arithmetic3A_282 : i32 to vector<16xi32>
        %shift_right_arithmetic3A_284 = arith.shrsi %and3A_281, %shift_right_arithmetic3A_283 : vector<16xi32>
        %eq3A_285 = vector.broadcast %add3A : i32 to vector<16xi32>
        %eq3A_286 = arith.cmpi eq, %shift_right_arithmetic3A_284, %eq3A_285 : vector<16xi32>
        %and3A_287 = arith.constant 4095 : i32
        %and3A_288 = vector.broadcast %and3A_287 : i32 to vector<16xi32>
        %and3A_289 = arith.andi %and3A_281, %and3A_288 : vector<16xi32>
        %shift_right_arithmetic3A_290 = arith.constant 17 : i32
        %shift_right_arithmetic3A_291 = vector.broadcast %shift_right_arithmetic3A_290 : i32 to vector<16xi32>
        %shift_right_arithmetic3A_292 = arith.shrsi %get3A_278, %shift_right_arithmetic3A_291 : vector<16xi32>
        %get3A_293 = arith.index_cast %mul3A_276 : i32 to index
        %get3A_294 = tpu.vector_load %arg10[%get3A_293] {strides = array<i32>} : memref<8192xf32, #tpu.memory_space<vmem>>, vector<16xf32>,
        %get3A_295 = arith.index_cast %mul3A_276 : i32 to index
        %get3A_296 = tpu.vector_load %arg12[%get3A_295] {strides = array<i32>} : memref<8192xf32, #tpu.memory_space<vmem>>, vector<16xf32>,
        %and3A_297 = arith.constant 2048 : i32
        %and3A_298 = vector.broadcast %and3A_297 : i32 to vector<16xi32>
        %and3A_299 = arith.andi %and3A_289, %and3A_298 : vector<16xi32>
        %shift_left3A_300 = arith.constant 1 : i32
        %shift_left3A_301 = vector.broadcast %shift_left3A_300 : i32 to vector<16xi32>
        %shift_left3A_302 = arith.shli %and3A_299, %shift_left3A_301 : vector<16xi32>
        %and3A_303 = arith.constant 2047 : i32
        %and3A_304 = vector.broadcast %and3A_303 : i32 to vector<16xi32>
        %and3A_305 = arith.andi %and3A_289, %and3A_304 : vector<16xi32>
        %or3A_306 = arith.ori %shift_left3A_302, %and3A_305 : vector<16xi32>
        tpu.vector_store_idx %arg13[%or3A_306], %get3A_294 masked %eq3A_286 : memref<8192xf32, #tpu.memory_space<vmem>>[vector<16xi32>], vector<16xf32>, vector<16xi1>
        %add3A_307 = arith.constant 2048 : i32
        %add3A_308 = vector.broadcast %add3A_307 : i32 to vector<16xi32>
        %add3A_309 = arith.addi %or3A_306, %add3A_308 : vector<16xi32>
        tpu.vector_store_idx %arg13[%add3A_309], %get3A_296 masked %eq3A_286 : memref<8192xf32, #tpu.memory_space<vmem>>[vector<16xi32>], vector<16xf32>, vector<16xi1>
        tpu.vector_store_idx %arg14[%and3A_289], %shift_right_arithmetic3A_292 masked %eq3A_286 : memref<4096xi32, #tpu.memory_space<vmem>>[vector<16xi32>], vector<16xi32>, vector<16xi1>
        %mul3A_310 = arith.constant 8 : i32
        %mul3A_311 = arith.muli %scan3A_196, %mul3A_310 : i32
        %add3A_312 = arith.constant 3 : i32
        %add3A_313 = arith.addi %mul3A_311, %add3A_312 : i32
        %mul3A_314 = arith.constant 16 : i32
        %mul3A_315 = arith.muli %add3A_313, %mul3A_314 : i32
        %get3A_316 = arith.index_cast %mul3A_315 : i32 to index
        %get3A_317 = tpu.vector_load %arg8[%get3A_316] {strides = array<i32>} : memref<8192xi32, #tpu.memory_space<vmem>>, vector<16xi32>,
        %and3A_318 = arith.constant 131071 : i32
        %and3A_319 = vector.broadcast %and3A_318 : i32 to vector<16xi32>
        %and3A_320 = arith.andi %get3A_317, %and3A_319 : vector<16xi32>
        %shift_right_arithmetic3A_321 = arith.constant 12 : i32
        %shift_right_arithmetic3A_322 = vector.broadcast %shift_right_arithmetic3A_321 : i32 to vector<16xi32>
        %shift_right_arithmetic3A_323 = arith.shrsi %and3A_320, %shift_right_arithmetic3A_322 : vector<16xi32>
        %eq3A_324 = vector.broadcast %add3A : i32 to vector<16xi32>
        %eq3A_325 = arith.cmpi eq, %shift_right_arithmetic3A_323, %eq3A_324 : vector<16xi32>
        %and3A_326 = arith.constant 4095 : i32
        %and3A_327 = vector.broadcast %and3A_326 : i32 to vector<16xi32>
        %and3A_328 = arith.andi %and3A_320, %and3A_327 : vector<16xi32>
        %shift_right_arithmetic3A_329 = arith.constant 17 : i32
        %shift_right_arithmetic3A_330 = vector.broadcast %shift_right_arithmetic3A_329 : i32 to vector<16xi32>
        %shift_right_arithmetic3A_331 = arith.shrsi %get3A_317, %shift_right_arithmetic3A_330 : vector<16xi32>
        %get3A_332 = arith.index_cast %mul3A_315 : i32 to index
        %get3A_333 = tpu.vector_load %arg10[%get3A_332] {strides = array<i32>} : memref<8192xf32, #tpu.memory_space<vmem>>, vector<16xf32>,
        %get3A_334 = arith.index_cast %mul3A_315 : i32 to index
        %get3A_335 = tpu.vector_load %arg12[%get3A_334] {strides = array<i32>} : memref<8192xf32, #tpu.memory_space<vmem>>, vector<16xf32>,
        %and3A_336 = arith.constant 2048 : i32
        %and3A_337 = vector.broadcast %and3A_336 : i32 to vector<16xi32>
        %and3A_338 = arith.andi %and3A_328, %and3A_337 : vector<16xi32>
        %shift_left3A_339 = arith.constant 1 : i32
        %shift_left3A_340 = vector.broadcast %shift_left3A_339 : i32 to vector<16xi32>
        %shift_left3A_341 = arith.shli %and3A_338, %shift_left3A_340 : vector<16xi32>
        %and3A_342 = arith.constant 2047 : i32
        %and3A_343 = vector.broadcast %and3A_342 : i32 to vector<16xi32>
        %and3A_344 = arith.andi %and3A_328, %and3A_343 : vector<16xi32>
        %or3A_345 = arith.ori %shift_left3A_341, %and3A_344 : vector<16xi32>
        tpu.vector_store_idx %arg13[%or3A_345], %get3A_333 masked %eq3A_325 : memref<8192xf32, #tpu.memory_space<vmem>>[vector<16xi32>], vector<16xf32>, vector<16xi1>
        %add3A_346 = arith.constant 2048 : i32
        %add3A_347 = vector.broadcast %add3A_346 : i32 to vector<16xi32>
        %add3A_348 = arith.addi %or3A_345, %add3A_347 : vector<16xi32>
        tpu.vector_store_idx %arg13[%add3A_348], %get3A_335 masked %eq3A_325 : memref<8192xf32, #tpu.memory_space<vmem>>[vector<16xi32>], vector<16xf32>, vector<16xi1>
        tpu.vector_store_idx %arg14[%and3A_328], %shift_right_arithmetic3A_331 masked %eq3A_325 : memref<4096xi32, #tpu.memory_space<vmem>>[vector<16xi32>], vector<16xi32>, vector<16xi1>
        %mul3A_349 = arith.constant 8 : i32
        %mul3A_350 = arith.muli %scan3A_196, %mul3A_349 : i32
        %add3A_351 = arith.constant 4 : i32
        %add3A_352 = arith.addi %mul3A_350, %add3A_351 : i32
        %mul3A_353 = arith.constant 16 : i32
        %mul3A_354 = arith.muli %add3A_352, %mul3A_353 : i32
        %get3A_355 = arith.index_cast %mul3A_354 : i32 to index
        %get3A_356 = tpu.vector_load %arg8[%get3A_355] {strides = array<i32>} : memref<8192xi32, #tpu.memory_space<vmem>>, vector<16xi32>,
        %and3A_357 = arith.constant 131071 : i32
        %and3A_358 = vector.broadcast %and3A_357 : i32 to vector<16xi32>
        %and3A_359 = arith.andi %get3A_356, %and3A_358 : vector<16xi32>
        %shift_right_arithmetic3A_360 = arith.constant 12 : i32
        %shift_right_arithmetic3A_361 = vector.broadcast %shift_right_arithmetic3A_360 : i32 to vector<16xi32>
        %shift_right_arithmetic3A_362 = arith.shrsi %and3A_359, %shift_right_arithmetic3A_361 : vector<16xi32>
        %eq3A_363 = vector.broadcast %add3A : i32 to vector<16xi32>
        %eq3A_364 = arith.cmpi eq, %shift_right_arithmetic3A_362, %eq3A_363 : vector<16xi32>
        %and3A_365 = arith.constant 4095 : i32
        %and3A_366 = vector.broadcast %and3A_365 : i32 to vector<16xi32>
        %and3A_367 = arith.andi %and3A_359, %and3A_366 : vector<16xi32>
        %shift_right_arithmetic3A_368 = arith.constant 17 : i32
        %shift_right_arithmetic3A_369 = vector.broadcast %shift_right_arithmetic3A_368 : i32 to vector<16xi32>
        %shift_right_arithmetic3A_370 = arith.shrsi %get3A_356, %shift_right_arithmetic3A_369 : vector<16xi32>
        %get3A_371 = arith.index_cast %mul3A_354 : i32 to index
        %get3A_372 = tpu.vector_load %arg10[%get3A_371] {strides = array<i32>} : memref<8192xf32, #tpu.memory_space<vmem>>, vector<16xf32>,
        %get3A_373 = arith.index_cast %mul3A_354 : i32 to index
        %get3A_374 = tpu.vector_load %arg12[%get3A_373] {strides = array<i32>} : memref<8192xf32, #tpu.memory_space<vmem>>, vector<16xf32>,
        %and3A_375 = arith.constant 2048 : i32
        %and3A_376 = vector.broadcast %and3A_375 : i32 to vector<16xi32>
        %and3A_377 = arith.andi %and3A_367, %and3A_376 : vector<16xi32>
        %shift_left3A_378 = arith.constant 1 : i32
        %shift_left3A_379 = vector.broadcast %shift_left3A_378 : i32 to vector<16xi32>
        %shift_left3A_380 = arith.shli %and3A_377, %shift_left3A_379 : vector<16xi32>
        %and3A_381 = arith.constant 2047 : i32
        %and3A_382 = vector.broadcast %and3A_381 : i32 to vector<16xi32>
        %and3A_383 = arith.andi %and3A_367, %and3A_382 : vector<16xi32>
        %or3A_384 = arith.ori %shift_left3A_380, %and3A_383 : vector<16xi32>
        tpu.vector_store_idx %arg13[%or3A_384], %get3A_372 masked %eq3A_364 : memref<8192xf32, #tpu.memory_space<vmem>>[vector<16xi32>], vector<16xf32>, vector<16xi1>
        %add3A_385 = arith.constant 2048 : i32
        %add3A_386 = vector.broadcast %add3A_385 : i32 to vector<16xi32>
        %add3A_387 = arith.addi %or3A_384, %add3A_386 : vector<16xi32>
        tpu.vector_store_idx %arg13[%add3A_387], %get3A_374 masked %eq3A_364 : memref<8192xf32, #tpu.memory_space<vmem>>[vector<16xi32>], vector<16xf32>, vector<16xi1>
        tpu.vector_store_idx %arg14[%and3A_367], %shift_right_arithmetic3A_370 masked %eq3A_364 : memref<4096xi32, #tpu.memory_space<vmem>>[vector<16xi32>], vector<16xi32>, vector<16xi1>
        %mul3A_388 = arith.constant 8 : i32
        %mul3A_389 = arith.muli %scan3A_196, %mul3A_388 : i32
        %add3A_390 = arith.constant 5 : i32
        %add3A_391 = arith.addi %mul3A_389, %add3A_390 : i32
        %mul3A_392 = arith.constant 16 : i32
        %mul3A_393 = arith.muli %add3A_391, %mul3A_392 : i32
        %get3A_394 = arith.index_cast %mul3A_393 : i32 to index
        %get3A_395 = tpu.vector_load %arg8[%get3A_394] {strides = array<i32>} : memref<8192xi32, #tpu.memory_space<vmem>>, vector<16xi32>,
        %and3A_396 = arith.constant 131071 : i32
        %and3A_397 = vector.broadcast %and3A_396 : i32 to vector<16xi32>
        %and3A_398 = arith.andi %get3A_395, %and3A_397 : vector<16xi32>
        %shift_right_arithmetic3A_399 = arith.constant 12 : i32
        %shift_right_arithmetic3A_400 = vector.broadcast %shift_right_arithmetic3A_399 : i32 to vector<16xi32>
        %shift_right_arithmetic3A_401 = arith.shrsi %and3A_398, %shift_right_arithmetic3A_400 : vector<16xi32>
        %eq3A_402 = vector.broadcast %add3A : i32 to vector<16xi32>
        %eq3A_403 = arith.cmpi eq, %shift_right_arithmetic3A_401, %eq3A_402 : vector<16xi32>
        %and3A_404 = arith.constant 4095 : i32
        %and3A_405 = vector.broadcast %and3A_404 : i32 to vector<16xi32>
        %and3A_406 = arith.andi %and3A_398, %and3A_405 : vector<16xi32>
        %shift_right_arithmetic3A_407 = arith.constant 17 : i32
        %shift_right_arithmetic3A_408 = vector.broadcast %shift_right_arithmetic3A_407 : i32 to vector<16xi32>
        %shift_right_arithmetic3A_409 = arith.shrsi %get3A_395, %shift_right_arithmetic3A_408 : vector<16xi32>
        %get3A_410 = arith.index_cast %mul3A_393 : i32 to index
        %get3A_411 = tpu.vector_load %arg10[%get3A_410] {strides = array<i32>} : memref<8192xf32, #tpu.memory_space<vmem>>, vector<16xf32>,
        %get3A_412 = arith.index_cast %mul3A_393 : i32 to index
        %get3A_413 = tpu.vector_load %arg12[%get3A_412] {strides = array<i32>} : memref<8192xf32, #tpu.memory_space<vmem>>, vector<16xf32>,
        %and3A_414 = arith.constant 2048 : i32
        %and3A_415 = vector.broadcast %and3A_414 : i32 to vector<16xi32>
        %and3A_416 = arith.andi %and3A_406, %and3A_415 : vector<16xi32>
        %shift_left3A_417 = arith.constant 1 : i32
        %shift_left3A_418 = vector.broadcast %shift_left3A_417 : i32 to vector<16xi32>
        %shift_left3A_419 = arith.shli %and3A_416, %shift_left3A_418 : vector<16xi32>
        %and3A_420 = arith.constant 2047 : i32
        %and3A_421 = vector.broadcast %and3A_420 : i32 to vector<16xi32>
        %and3A_422 = arith.andi %and3A_406, %and3A_421 : vector<16xi32>
        %or3A_423 = arith.ori %shift_left3A_419, %and3A_422 : vector<16xi32>
        tpu.vector_store_idx %arg13[%or3A_423], %get3A_411 masked %eq3A_403 : memref<8192xf32, #tpu.memory_space<vmem>>[vector<16xi32>], vector<16xf32>, vector<16xi1>
        %add3A_424 = arith.constant 2048 : i32
        %add3A_425 = vector.broadcast %add3A_424 : i32 to vector<16xi32>
        %add3A_426 = arith.addi %or3A_423, %add3A_425 : vector<16xi32>
        tpu.vector_store_idx %arg13[%add3A_426], %get3A_413 masked %eq3A_403 : memref<8192xf32, #tpu.memory_space<vmem>>[vector<16xi32>], vector<16xf32>, vector<16xi1>
        tpu.vector_store_idx %arg14[%and3A_406], %shift_right_arithmetic3A_409 masked %eq3A_403 : memref<4096xi32, #tpu.memory_space<vmem>>[vector<16xi32>], vector<16xi32>, vector<16xi1>
        %mul3A_427 = arith.constant 8 : i32
        %mul3A_428 = arith.muli %scan3A_196, %mul3A_427 : i32
        %add3A_429 = arith.constant 6 : i32
        %add3A_430 = arith.addi %mul3A_428, %add3A_429 : i32
        %mul3A_431 = arith.constant 16 : i32
        %mul3A_432 = arith.muli %add3A_430, %mul3A_431 : i32
        %get3A_433 = arith.index_cast %mul3A_432 : i32 to index
        %get3A_434 = tpu.vector_load %arg8[%get3A_433] {strides = array<i32>} : memref<8192xi32, #tpu.memory_space<vmem>>, vector<16xi32>,
        %and3A_435 = arith.constant 131071 : i32
        %and3A_436 = vector.broadcast %and3A_435 : i32 to vector<16xi32>
        %and3A_437 = arith.andi %get3A_434, %and3A_436 : vector<16xi32>
        %shift_right_arithmetic3A_438 = arith.constant 12 : i32
        %shift_right_arithmetic3A_439 = vector.broadcast %shift_right_arithmetic3A_438 : i32 to vector<16xi32>
        %shift_right_arithmetic3A_440 = arith.shrsi %and3A_437, %shift_right_arithmetic3A_439 : vector<16xi32>
        %eq3A_441 = vector.broadcast %add3A : i32 to vector<16xi32>
        %eq3A_442 = arith.cmpi eq, %shift_right_arithmetic3A_440, %eq3A_441 : vector<16xi32>
        %and3A_443 = arith.constant 4095 : i32
        %and3A_444 = vector.broadcast %and3A_443 : i32 to vector<16xi32>
        %and3A_445 = arith.andi %and3A_437, %and3A_444 : vector<16xi32>
        %shift_right_arithmetic3A_446 = arith.constant 17 : i32
        %shift_right_arithmetic3A_447 = vector.broadcast %shift_right_arithmetic3A_446 : i32 to vector<16xi32>
        %shift_right_arithmetic3A_448 = arith.shrsi %get3A_434, %shift_right_arithmetic3A_447 : vector<16xi32>
        %get3A_449 = arith.index_cast %mul3A_432 : i32 to index
        %get3A_450 = tpu.vector_load %arg10[%get3A_449] {strides = array<i32>} : memref<8192xf32, #tpu.memory_space<vmem>>, vector<16xf32>,
        %get3A_451 = arith.index_cast %mul3A_432 : i32 to index
        %get3A_452 = tpu.vector_load %arg12[%get3A_451] {strides = array<i32>} : memref<8192xf32, #tpu.memory_space<vmem>>, vector<16xf32>,
        %and3A_453 = arith.constant 2048 : i32
        %and3A_454 = vector.broadcast %and3A_453 : i32 to vector<16xi32>
        %and3A_455 = arith.andi %and3A_445, %and3A_454 : vector<16xi32>
        %shift_left3A_456 = arith.constant 1 : i32
        %shift_left3A_457 = vector.broadcast %shift_left3A_456 : i32 to vector<16xi32>
        %shift_left3A_458 = arith.shli %and3A_455, %shift_left3A_457 : vector<16xi32>
        %and3A_459 = arith.constant 2047 : i32
        %and3A_460 = vector.broadcast %and3A_459 : i32 to vector<16xi32>
        %and3A_461 = arith.andi %and3A_445, %and3A_460 : vector<16xi32>
        %or3A_462 = arith.ori %shift_left3A_458, %and3A_461 : vector<16xi32>
        tpu.vector_store_idx %arg13[%or3A_462], %get3A_450 masked %eq3A_442 : memref<8192xf32, #tpu.memory_space<vmem>>[vector<16xi32>], vector<16xf32>, vector<16xi1>
        %add3A_463 = arith.constant 2048 : i32
        %add3A_464 = vector.broadcast %add3A_463 : i32 to vector<16xi32>
        %add3A_465 = arith.addi %or3A_462, %add3A_464 : vector<16xi32>
        tpu.vector_store_idx %arg13[%add3A_465], %get3A_452 masked %eq3A_442 : memref<8192xf32, #tpu.memory_space<vmem>>[vector<16xi32>], vector<16xf32>, vector<16xi1>
        tpu.vector_store_idx %arg14[%and3A_445], %shift_right_arithmetic3A_448 masked %eq3A_442 : memref<4096xi32, #tpu.memory_space<vmem>>[vector<16xi32>], vector<16xi32>, vector<16xi1>
        %mul3A_466 = arith.constant 8 : i32
        %mul3A_467 = arith.muli %scan3A_196, %mul3A_466 : i32
        %add3A_468 = arith.constant 7 : i32
        %add3A_469 = arith.addi %mul3A_467, %add3A_468 : i32
        %mul3A_470 = arith.constant 16 : i32
        %mul3A_471 = arith.muli %add3A_469, %mul3A_470 : i32
        %get3A_472 = arith.index_cast %mul3A_471 : i32 to index
        %get3A_473 = tpu.vector_load %arg8[%get3A_472] {strides = array<i32>} : memref<8192xi32, #tpu.memory_space<vmem>>, vector<16xi32>,
        %and3A_474 = arith.constant 131071 : i32
        %and3A_475 = vector.broadcast %and3A_474 : i32 to vector<16xi32>
        %and3A_476 = arith.andi %get3A_473, %and3A_475 : vector<16xi32>
        %shift_right_arithmetic3A_477 = arith.constant 12 : i32
        %shift_right_arithmetic3A_478 = vector.broadcast %shift_right_arithmetic3A_477 : i32 to vector<16xi32>
        %shift_right_arithmetic3A_479 = arith.shrsi %and3A_476, %shift_right_arithmetic3A_478 : vector<16xi32>
        %eq3A_480 = vector.broadcast %add3A : i32 to vector<16xi32>
        %eq3A_481 = arith.cmpi eq, %shift_right_arithmetic3A_479, %eq3A_480 : vector<16xi32>
        %and3A_482 = arith.constant 4095 : i32
        %and3A_483 = vector.broadcast %and3A_482 : i32 to vector<16xi32>
        %and3A_484 = arith.andi %and3A_476, %and3A_483 : vector<16xi32>
        %shift_right_arithmetic3A_485 = arith.constant 17 : i32
        %shift_right_arithmetic3A_486 = vector.broadcast %shift_right_arithmetic3A_485 : i32 to vector<16xi32>
        %shift_right_arithmetic3A_487 = arith.shrsi %get3A_473, %shift_right_arithmetic3A_486 : vector<16xi32>
        %get3A_488 = arith.index_cast %mul3A_471 : i32 to index
        %get3A_489 = tpu.vector_load %arg10[%get3A_488] {strides = array<i32>} : memref<8192xf32, #tpu.memory_space<vmem>>, vector<16xf32>,
        %get3A_490 = arith.index_cast %mul3A_471 : i32 to index
        %get3A_491 = tpu.vector_load %arg12[%get3A_490] {strides = array<i32>} : memref<8192xf32, #tpu.memory_space<vmem>>, vector<16xf32>,
        %and3A_492 = arith.constant 2048 : i32
        %and3A_493 = vector.broadcast %and3A_492 : i32 to vector<16xi32>
        %and3A_494 = arith.andi %and3A_484, %and3A_493 : vector<16xi32>
        %shift_left3A_495 = arith.constant 1 : i32
        %shift_left3A_496 = vector.broadcast %shift_left3A_495 : i32 to vector<16xi32>
        %shift_left3A_497 = arith.shli %and3A_494, %shift_left3A_496 : vector<16xi32>
        %and3A_498 = arith.constant 2047 : i32
        %and3A_499 = vector.broadcast %and3A_498 : i32 to vector<16xi32>
        %and3A_500 = arith.andi %and3A_484, %and3A_499 : vector<16xi32>
        %or3A_501 = arith.ori %shift_left3A_497, %and3A_500 : vector<16xi32>
        tpu.vector_store_idx %arg13[%or3A_501], %get3A_489 masked %eq3A_481 : memref<8192xf32, #tpu.memory_space<vmem>>[vector<16xi32>], vector<16xf32>, vector<16xi1>
        %add3A_502 = arith.constant 2048 : i32
        %add3A_503 = vector.broadcast %add3A_502 : i32 to vector<16xi32>
        %add3A_504 = arith.addi %or3A_501, %add3A_503 : vector<16xi32>
        tpu.vector_store_idx %arg13[%add3A_504], %get3A_491 masked %eq3A_481 : memref<8192xf32, #tpu.memory_space<vmem>>[vector<16xi32>], vector<16xf32>, vector<16xi1>
        tpu.vector_store_idx %arg14[%and3A_484], %shift_right_arithmetic3A_487 masked %eq3A_481 : memref<4096xi32, #tpu.memory_space<vmem>>[vector<16xi32>], vector<16xi32>, vector<16xi1>
      }
      %scan3A_166 = arith.constant 64 : i32
      %add3A_167 = arith.constant 2 : i32
      %add3A_168 = arith.addi %add3A_148, %add3A_167 : i32
      %min3A_169 = arith.constant 15 : i32
      %min3A_170 = arith.minsi %add3A_168, %min3A_169 : i32
      %add3A_171 = arith.addi %min3A_170, %add3A : i32
      %jit3A_172 = arith.constant 16 : i32
      %eq3A_173 = arith.constant 0 : i32
      %eq3A_174 = arith.cmpi eq, %jit3A_172, %eq3A_173 : i32
      %jit3A_175 = arith.constant 1 : i32
      %select_n3A_176 = arith.select %eq3A_174, %jit3A_175, %jit3A_172 : i32
      %rem3A_177 = arith.remsi %add3A_171, %select_n3A_176 : i32
      %ne3A_178 = arith.constant 0 : i32
      %ne3A_179 = arith.cmpi ne, %rem3A_177, %ne3A_178 : i32
      %lt3A_180 = arith.constant 0 : i32
      %lt3A_181 = arith.cmpi slt, %rem3A_177, %lt3A_180 : i32
      %lt3A_182 = arith.constant 0 : i32
      %lt3A_183 = arith.cmpi slt, %select_n3A_176, %lt3A_182 : i32
      %ne3A_184 = arith.xori %lt3A_181, %lt3A_183 : i1
      %and3A_185 = arith.andi %ne3A_184, %ne3A_179 : i1
      %add3A_186 = arith.addi %rem3A_177, %select_n3A_176 : i32
      %select_n3A_187 = arith.select %and3A_185, %add3A_186, %rem3A_177 : i32
      %mul3A_188 = arith.constant 8192 : i32
      %mul3A_189 = arith.muli %select_n3A_187, %mul3A_188 : i32
      %dma_start3A_190 = tpu.memref_slice %arg2[%mul3A_189] : memref<131072xi32, #tpu.memory_space<hbm>> -> memref<8192xi32, #tpu.memory_space<hbm>>
      %dma_start3A_191 = tpu.memref_slice %arg2[%mul3A_189] : memref<131072xi32, #tpu.memory_space<hbm>> -> memref<8192xi32, #tpu.memory_space<hbm>>
      tpu.enqueue_dma source(%dma_start3A_191 : memref<8192xi32, #tpu.memory_space<hbm>>) target(%arg8 : memref<8192xi32, #tpu.memory_space<vmem>>) target_semaphore(%arg16 : memref<!tpu.dma_semaphore, #tpu.memory_space<semaphore_mem>>)
      %dma_start3A_192 = tpu.memref_slice %arg3[%mul3A_189] : memref<131072xf32, #tpu.memory_space<hbm>> -> memref<8192xf32, #tpu.memory_space<hbm>>
      %dma_start3A_193 = tpu.memref_slice %arg3[%mul3A_189] : memref<131072xf32, #tpu.memory_space<hbm>> -> memref<8192xf32, #tpu.memory_space<hbm>>
      tpu.enqueue_dma source(%dma_start3A_193 : memref<8192xf32, #tpu.memory_space<hbm>>) target(%arg10 : memref<8192xf32, #tpu.memory_space<vmem>>) target_semaphore(%arg16 : memref<!tpu.dma_semaphore, #tpu.memory_space<semaphore_mem>>)
      %dma_start3A_194 = tpu.memref_slice %arg4[%mul3A_189] : memref<131072xf32, #tpu.memory_space<hbm>> -> memref<8192xf32, #tpu.memory_space<hbm>>
      %dma_start3A_195 = tpu.memref_slice %arg4[%mul3A_189] : memref<131072xf32, #tpu.memory_space<hbm>> -> memref<8192xf32, #tpu.memory_space<hbm>>
      tpu.enqueue_dma source(%dma_start3A_195 : memref<8192xf32, #tpu.memory_space<hbm>>) target(%arg12 : memref<8192xf32, #tpu.memory_space<vmem>>) target_semaphore(%arg16 : memref<!tpu.dma_semaphore, #tpu.memory_space<semaphore_mem>>)
    }
    %scan3A_64 = arith.constant 8 : i32
    %dma_wait3A = arith.constant 0 : i32
    %dma_wait3A_65 = tpu.memref_slice %arg2[%dma_wait3A] : memref<131072xi32, #tpu.memory_space<hbm>> -> memref<8192xi32, #tpu.memory_space<hbm>>
    %dma_wait3A_66 = arith.constant 0 : i32
    %dma_wait3A_67 = tpu.memref_slice %arg2[%dma_wait3A_66] : memref<131072xi32, #tpu.memory_space<hbm>> -> memref<8192xi32, #tpu.memory_space<hbm>>
    tpu.wait_dma2 semaphore(%arg15 : memref<!tpu.dma_semaphore, #tpu.memory_space<semaphore_mem>>) src(%dma_wait3A_67 : memref<8192xi32, #tpu.memory_space<hbm>>) dst(%arg7 : memref<8192xi32, #tpu.memory_space<vmem>>)
    %dma_wait3A_68 = arith.constant 0 : i32
    %dma_wait3A_69 = tpu.memref_slice %arg3[%dma_wait3A_68] : memref<131072xf32, #tpu.memory_space<hbm>> -> memref<8192xf32, #tpu.memory_space<hbm>>
    %dma_wait3A_70 = arith.constant 0 : i32
    %dma_wait3A_71 = tpu.memref_slice %arg3[%dma_wait3A_70] : memref<131072xf32, #tpu.memory_space<hbm>> -> memref<8192xf32, #tpu.memory_space<hbm>>
    tpu.wait_dma2 semaphore(%arg15 : memref<!tpu.dma_semaphore, #tpu.memory_space<semaphore_mem>>) src(%dma_wait3A_71 : memref<8192xf32, #tpu.memory_space<hbm>>) dst(%arg9 : memref<8192xf32, #tpu.memory_space<vmem>>)
    %dma_wait3A_72 = arith.constant 0 : i32
    %dma_wait3A_73 = tpu.memref_slice %arg4[%dma_wait3A_72] : memref<131072xf32, #tpu.memory_space<hbm>> -> memref<8192xf32, #tpu.memory_space<hbm>>
    %dma_wait3A_74 = arith.constant 0 : i32
    %dma_wait3A_75 = tpu.memref_slice %arg4[%dma_wait3A_74] : memref<131072xf32, #tpu.memory_space<hbm>> -> memref<8192xf32, #tpu.memory_space<hbm>>
    tpu.wait_dma2 semaphore(%arg15 : memref<!tpu.dma_semaphore, #tpu.memory_space<semaphore_mem>>) src(%dma_wait3A_75 : memref<8192xf32, #tpu.memory_space<hbm>>) dst(%arg11 : memref<8192xf32, #tpu.memory_space<vmem>>)
    %dma_wait3A_76 = arith.constant 0 : i32
    %dma_wait3A_77 = tpu.memref_slice %arg2[%dma_wait3A_76] : memref<131072xi32, #tpu.memory_space<hbm>> -> memref<8192xi32, #tpu.memory_space<hbm>>
    %dma_wait3A_78 = arith.constant 0 : i32
    %dma_wait3A_79 = tpu.memref_slice %arg2[%dma_wait3A_78] : memref<131072xi32, #tpu.memory_space<hbm>> -> memref<8192xi32, #tpu.memory_space<hbm>>
    tpu.wait_dma2 semaphore(%arg16 : memref<!tpu.dma_semaphore, #tpu.memory_space<semaphore_mem>>) src(%dma_wait3A_79 : memref<8192xi32, #tpu.memory_space<hbm>>) dst(%arg8 : memref<8192xi32, #tpu.memory_space<vmem>>)
    %dma_wait3A_80 = arith.constant 0 : i32
    %dma_wait3A_81 = tpu.memref_slice %arg3[%dma_wait3A_80] : memref<131072xf32, #tpu.memory_space<hbm>> -> memref<8192xf32, #tpu.memory_space<hbm>>
    %dma_wait3A_82 = arith.constant 0 : i32
    %dma_wait3A_83 = tpu.memref_slice %arg3[%dma_wait3A_82] : memref<131072xf32, #tpu.memory_space<hbm>> -> memref<8192xf32, #tpu.memory_space<hbm>>
    tpu.wait_dma2 semaphore(%arg16 : memref<!tpu.dma_semaphore, #tpu.memory_space<semaphore_mem>>) src(%dma_wait3A_83 : memref<8192xf32, #tpu.memory_space<hbm>>) dst(%arg10 : memref<8192xf32, #tpu.memory_space<vmem>>)
    %dma_wait3A_84 = arith.constant 0 : i32
    %dma_wait3A_85 = tpu.memref_slice %arg4[%dma_wait3A_84] : memref<131072xf32, #tpu.memory_space<hbm>> -> memref<8192xf32, #tpu.memory_space<hbm>>
    %dma_wait3A_86 = arith.constant 0 : i32
    %dma_wait3A_87 = tpu.memref_slice %arg4[%dma_wait3A_86] : memref<131072xf32, #tpu.memory_space<hbm>> -> memref<8192xf32, #tpu.memory_space<hbm>>
    tpu.wait_dma2 semaphore(%arg16 : memref<!tpu.dma_semaphore, #tpu.memory_space<semaphore_mem>>) src(%dma_wait3A_87 : memref<8192xf32, #tpu.memory_space<hbm>>) dst(%arg12 : memref<8192xf32, #tpu.memory_space<vmem>>)
    %mul3A_88 = arith.constant 2 : i32
    %mul3A_89 = arith.muli %add3A, %mul3A_88 : i32
    %mul3A_90 = arith.constant 4096 : i32
    %mul3A_91 = arith.muli %mul3A_89, %mul3A_90 : i32
    "tpu.region"() ({
      %run_scoped3A = tpu.sem_alloc : memref<!tpu.dma_semaphore, #tpu.memory_space<semaphore_mem>>
      %dma_start3A_94 = tpu.memref_slice %arg5[%mul3A_91] : memref<262144xf32, #tpu.memory_space<hbm>> -> memref<8192xf32, #tpu.memory_space<hbm>>
      %dma_start3A_95 = tpu.memref_slice %arg5[%mul3A_91] : memref<262144xf32, #tpu.memory_space<hbm>> -> memref<8192xf32, #tpu.memory_space<hbm>>
      tpu.enqueue_dma source(%arg13 : memref<8192xf32, #tpu.memory_space<vmem>>) target(%dma_start3A_95 : memref<8192xf32, #tpu.memory_space<hbm>>) target_semaphore(%run_scoped3A : memref<!tpu.dma_semaphore, #tpu.memory_space<semaphore_mem>>)
      %dma_wait3A_96 = tpu.memref_slice %arg5[%mul3A_91] : memref<262144xf32, #tpu.memory_space<hbm>> -> memref<8192xf32, #tpu.memory_space<hbm>>
      %dma_wait3A_97 = tpu.memref_slice %arg5[%mul3A_91] : memref<262144xf32, #tpu.memory_space<hbm>> -> memref<8192xf32, #tpu.memory_space<hbm>>
      tpu.wait_dma2 semaphore(%run_scoped3A : memref<!tpu.dma_semaphore, #tpu.memory_space<semaphore_mem>>) src(%arg13 : memref<8192xf32, #tpu.memory_space<vmem>>) dst(%dma_wait3A_97 : memref<8192xf32, #tpu.memory_space<hbm>>)
      tpu.yield
    }) : () -> ()
    %mul3A_92 = arith.constant 4096 : i32
    %mul3A_93 = arith.muli %add3A, %mul3A_92 : i32
    "tpu.region"() ({
      %run_scoped3A = tpu.sem_alloc : memref<!tpu.dma_semaphore, #tpu.memory_space<semaphore_mem>>
      %dma_start3A_94 = tpu.memref_slice %arg6[%mul3A_93] : memref<131072xi32, #tpu.memory_space<hbm>> -> memref<4096xi32, #tpu.memory_space<hbm>>
      %dma_start3A_95 = tpu.memref_slice %arg6[%mul3A_93] : memref<131072xi32, #tpu.memory_space<hbm>> -> memref<4096xi32, #tpu.memory_space<hbm>>
      tpu.enqueue_dma source(%arg14 : memref<4096xi32, #tpu.memory_space<vmem>>) target(%dma_start3A_95 : memref<4096xi32, #tpu.memory_space<hbm>>) target_semaphore(%run_scoped3A : memref<!tpu.dma_semaphore, #tpu.memory_space<semaphore_mem>>)
      %dma_wait3A_96 = tpu.memref_slice %arg6[%mul3A_93] : memref<131072xi32, #tpu.memory_space<hbm>> -> memref<4096xi32, #tpu.memory_space<hbm>>
      %dma_wait3A_97 = tpu.memref_slice %arg6[%mul3A_93] : memref<131072xi32, #tpu.memory_space<hbm>> -> memref<4096xi32, #tpu.memory_space<hbm>>
      tpu.wait_dma2 semaphore(%run_scoped3A : memref<!tpu.dma_semaphore, #tpu.memory_space<semaphore_mem>>) src(%arg14 : memref<4096xi32, #tpu.memory_space<vmem>>) dst(%dma_wait3A_97 : memref<4096xi32, #tpu.memory_space<hbm>>)
      tpu.yield
    }) : () -> ()
    return
  }
}

module attributes {stable_mosaic.version = 14 : i64} {
  func.func @_project_body(%arg0: memref<4x1024x128xf32, #tpu.memory_space<vmem>>, %arg1: memref<1024x128xi32, #tpu.memory_space<vmem>>, %arg2: memref<1024x128xi32, #tpu.memory_space<vmem>>, %arg3: memref<1024x128xf32, #tpu.memory_space<vmem>>, %arg4: memref<1024x128xf32, #tpu.memory_space<vmem>>) attributes {dimension_semantics = [], scalar_prefetch = 0 : i64, scratch_operands = 0 : i64, tpu.core_type = #tpu.core_type<tc>} {
    %get3A = arith.constant 0 : index
    %get3A_0 = arith.constant 0 : index
    %get3A_1 = arith.constant 0 : index
    %get3A_2 = vector.load %arg0[%get3A, %get3A_0, %get3A_1] : memref<4x1024x128xf32, #tpu.memory_space<vmem>>, vector<1x1024x128xf32>
    %get3A_3 = vector.shape_cast %get3A_2 : vector<1x1024x128xf32> to vector<1024x128xf32>
    %get3A_4 = arith.constant 1 : index
    %get3A_5 = arith.constant 0 : index
    %get3A_6 = arith.constant 0 : index
    %get3A_7 = vector.load %arg0[%get3A_4, %get3A_5, %get3A_6] : memref<4x1024x128xf32, #tpu.memory_space<vmem>>, vector<1x1024x128xf32>
    %get3A_8 = vector.shape_cast %get3A_7 : vector<1x1024x128xf32> to vector<1024x128xf32>
    %get3A_9 = arith.constant 2 : index
    %get3A_10 = arith.constant 0 : index
    %get3A_11 = arith.constant 0 : index
    %get3A_12 = vector.load %arg0[%get3A_9, %get3A_10, %get3A_11] : memref<4x1024x128xf32, #tpu.memory_space<vmem>>, vector<1x1024x128xf32>
    %get3A_13 = vector.shape_cast %get3A_12 : vector<1x1024x128xf32> to vector<1024x128xf32>
    %get3A_14 = arith.constant 3 : index
    %get3A_15 = arith.constant 0 : index
    %get3A_16 = arith.constant 0 : index
    %get3A_17 = vector.load %arg0[%get3A_14, %get3A_15, %get3A_16] : memref<4x1024x128xf32, #tpu.memory_space<vmem>>, vector<1x1024x128xf32>
    %get3A_18 = vector.shape_cast %get3A_17 : vector<1x1024x128xf32> to vector<1024x128xf32>
    %get3A_19 = arith.constant 0 : index
    %get3A_20 = arith.constant 0 : index
    %get3A_21 = vector.load %arg1[%get3A_19, %get3A_20] : memref<1024x128xi32, #tpu.memory_space<vmem>>, vector<1024x128xi32>
    %mul3A = arith.mulf %get3A_3, %get3A_3 : vector<1024x128xf32>
    %mul3A_22 = arith.mulf %get3A_13, %get3A_13 : vector<1024x128xf32>
    %add3A = arith.addf %mul3A, %mul3A_22 : vector<1024x128xf32>
    %mul3A_23 = arith.mulf %get3A_8, %get3A_8 : vector<1024x128xf32>
    %add3A_24 = arith.addf %add3A, %mul3A_23 : vector<1024x128xf32>
    %sqrt3A = math.sqrt %add3A_24 : vector<1024x128xf32>
    %rsqrt3A = math.rsqrt %add3A_24 : vector<1024x128xf32>
    %mul3A_25 = arith.mulf %get3A_13, %rsqrt3A : vector<1024x128xf32>
    %atan23A = math.atan2 %get3A_8, %get3A_3 : vector<1024x128xf32>
    %sub3A = arith.constant 1.000000e+00 : f32
    %sub3A_26 = vector.broadcast %sub3A : f32 to vector<1024x128xf32>
    %sub3A_27 = arith.subf %sub3A_26, %mul3A_25 : vector<1024x128xf32>
    %add3A_28 = arith.constant 1.000000e+00 : f32
    %add3A_29 = vector.broadcast %add3A_28 : f32 to vector<1024x128xf32>
    %add3A_30 = arith.addf %add3A_29, %mul3A_25 : vector<1024x128xf32>
    %mul3A_31 = arith.mulf %sub3A_27, %add3A_30 : vector<1024x128xf32>
    %sqrt3A_32 = math.sqrt %mul3A_31 : vector<1024x128xf32>
    %add3A_33 = arith.constant 1.000000e+00 : f32
    %add3A_34 = vector.broadcast %add3A_33 : f32 to vector<1024x128xf32>
    %add3A_35 = arith.addf %sqrt3A_32, %add3A_34 : vector<1024x128xf32>
    %atan23A_36 = math.atan2 %mul3A_25, %add3A_35 : vector<1024x128xf32>
    %add3A_37 = arith.addf %atan23A_36, %atan23A_36 : vector<1024x128xf32>
    %mul3A_38 = arith.constant 0.318309873 : f32
    %mul3A_39 = vector.broadcast %mul3A_38 : f32 to vector<1024x128xf32>
    %mul3A_40 = arith.mulf %atan23A, %mul3A_39 : vector<1024x128xf32>
    %add3A_41 = arith.constant 1.000000e+00 : f32
    %add3A_42 = vector.broadcast %add3A_41 : f32 to vector<1024x128xf32>
    %add3A_43 = arith.addf %mul3A_40, %add3A_42 : vector<1024x128xf32>
    %mul3A_44 = arith.constant 1.024000e+03 : f32
    %mul3A_45 = vector.broadcast %mul3A_44 : f32 to vector<1024x128xf32>
    %mul3A_46 = arith.mulf %add3A_43, %mul3A_45 : vector<1024x128xf32>
    %sub3A_47 = arith.constant 1.57079637 : f32
    %sub3A_48 = vector.broadcast %sub3A_47 : f32 to vector<1024x128xf32>
    %sub3A_49 = arith.subf %sub3A_48, %add3A_37 : vector<1024x128xf32>
    %mul3A_50 = arith.constant 20.3718319 : f32
    %mul3A_51 = vector.broadcast %mul3A_50 : f32 to vector<1024x128xf32>
    %mul3A_52 = arith.mulf %sub3A_49, %mul3A_51 : vector<1024x128xf32>
    %floor3A = math.floor %mul3A_46 : vector<1024x128xf32>
    %jit3A = arith.constant 0.000000e+00 : f32
    %jit3A_53 = arith.constant 2.047000e+03 : f32
    %max3A = vector.broadcast %jit3A : f32 to vector<1024x128xf32>
    %max3A_54 = arith.maximumf %max3A, %floor3A : vector<1024x128xf32>
    %min3A = vector.broadcast %jit3A_53 : f32 to vector<1024x128xf32>
    %min3A_55 = arith.minimumf %min3A, %max3A_54 : vector<1024x128xf32>
    %convert_element_type3A = arith.fptosi %min3A_55 : vector<1024x128xf32> to vector<1024x128xi32>
    %floor3A_56 = math.floor %mul3A_52 : vector<1024x128xf32>
    %jit3A_57 = arith.constant 0.000000e+00 : f32
    %jit3A_58 = arith.constant 6.300000e+01 : f32
    %max3A_59 = vector.broadcast %jit3A_57 : f32 to vector<1024x128xf32>
    %max3A_60 = arith.maximumf %max3A_59, %floor3A_56 : vector<1024x128xf32>
    %min3A_61 = vector.broadcast %jit3A_58 : f32 to vector<1024x128xf32>
    %min3A_62 = arith.minimumf %min3A_61, %max3A_60 : vector<1024x128xf32>
    %convert_element_type3A_63 = arith.fptosi %min3A_62 : vector<1024x128xf32> to vector<1024x128xi32>
    %shift_left3A = arith.constant 17 : i32
    %shift_left3A_64 = vector.broadcast %shift_left3A : i32 to vector<1024x128xi32>
    %shift_left3A_65 = arith.shli %get3A_21, %shift_left3A_64 : vector<1024x128xi32>
    %mul3A_66 = arith.constant 2048 : i32
    %mul3A_67 = vector.broadcast %mul3A_66 : i32 to vector<1024x128xi32>
    %mul3A_68 = arith.muli %convert_element_type3A_63, %mul3A_67 : vector<1024x128xi32>
    %add3A_69 = arith.addi %mul3A_68, %convert_element_type3A : vector<1024x128xi32>
    %or3A = arith.ori %shift_left3A_65, %add3A_69 : vector<1024x128xi32>
    %swap3A = arith.constant 0 : index
    %swap3A_70 = arith.constant 0 : index
    %swap3A_71 = vector.load %arg2[%swap3A, %swap3A_70] : memref<1024x128xi32, #tpu.memory_space<vmem>>, vector<1024x128xi32>
    tpu.vector_store %arg2[%swap3A, %swap3A_70], %or3A {strides = array<i32>} : memref<1024x128xi32, #tpu.memory_space<vmem>>, vector<1024x128xi32>,
    %swap3A_72 = arith.constant 0 : index
    %swap3A_73 = arith.constant 0 : index
    %swap3A_74 = vector.load %arg3[%swap3A_72, %swap3A_73] : memref<1024x128xf32, #tpu.memory_space<vmem>>, vector<1024x128xf32>
    tpu.vector_store %arg3[%swap3A_72, %swap3A_73], %get3A_18 {strides = array<i32>} : memref<1024x128xf32, #tpu.memory_space<vmem>>, vector<1024x128xf32>,
    %swap3A_75 = arith.constant 0 : index
    %swap3A_76 = arith.constant 0 : index
    %swap3A_77 = vector.load %arg4[%swap3A_75, %swap3A_76] : memref<1024x128xf32, #tpu.memory_space<vmem>>, vector<1024x128xf32>
    tpu.vector_store %arg4[%swap3A_75, %swap3A_76], %sqrt3A {strides = array<i32>} : memref<1024x128xf32, #tpu.memory_space<vmem>>, vector<1024x128xf32>,
    return
  }
}

</mosaic_0001>

<sc_bundles>
// kernel: kernel.4.cloned.1.call-start
scs
__scs_entry_jumppad:
0x0: {  	(pc) =	sbr.rel $0x88, $3  }
0x1: {  	(tag) =	ssettag $0x0;
	lr =	simm.s32 $0x1  }
0x2: {  	[smem:$0x3F9F] =	sst lr;
	_ =	strace $0xD0000000  }
0x3: {  	_ = 	snop  }
0x4: {  	_ = 	snop  }
0x5: {  	_ = 	snop  }
0x6: {  	_ = 	snop  }
0x7: {  	_ = 	snop  }
__scs_overlays_trampoline_lowered:
0x8: {  	[smem:$0x3FAE] =	sst s0  }
0x9: {  	[smem:$0x3FAF] =	sst s1  }
0xa: {  	[smem:$0x3FB0] =	sst s2  }
0xb: {  	[smem:$0x3FB1] =	sst s3  }
0xc: {  	[smem:$0x3FB2] =	sst s4  }
0xd: {  	[smem:$0x3FB3] =	sst s5  }
0xe: {  	[smem:$0x3FB4] =	sst s6  }
0xf: {  	[smem:$0x3FB5] =	sst s7  }
0x10: {  	[smem:$0x3FB6] =	sst s8  }
0x11: {  	[smem:$0x3FB7] =	sst s9;
	s0 =	simm.s32 @!p0 $0x0  }
0x12: {  	s1 =	sld [smem:$0x3F9D];
	s0 =	simm.s32 @p0 $0x1  }
0x13: {  	[smem:$0x3FB8] =	sst s0;
	s0 =	simm.s32 @!p1 $0x0  }
0x14: {  	s2 =	sld [smem:$0x3F9C];
	s0 =	simm.s32 @p1 $0x1  }
0x15: {  	[smem:$0x3FB9] =	sst s0;
	s0 =	simm.s32 @!p2 $0x0  }
0x16: {  	s3 =	sld [smem:$0x3FDB];
	s0 =	simm.s32 @p2 $0x1  }
0x17: {  	s4 =	simm.s32 $0x1BF5;
	[smem:$0x3FBB] =	sst s0  }
0x18: {  	s0 =	sld [smem:$0x3F9E];
	_ =	swait.ge [sflag:s4], $0x0  }
0x19: {  	s7 =	sld [smem:$0x3F9F]  }
0x1a: {  	s8 =	sadd.s32 $0xFFFFE003, lr  }
0x1b: {  	s9 =	sadd.s32 $0xFFFFFEF7, lr;
	s5 =	simm.s32 $0xFFFFFFFF;
	p2 =	slt.u32 s8, $0xFFFFF086  }
0x1c: {  	p1 =	slt.u32 s9, $0xF7A;
	s5 =	simm.s32 @!p2 $0x0  }
0x1d: {  	s5 =	simm.s32 @p1 $0x1;
	p0 =	seq.s32 s7, s2  }
0x1e: {  	s7 =	smul.u32 @!p0 $0xF7A, s2;
	p2 =	seq.s32 @!p0 s5, $0x0  }
0x1f: {  	s9 =	smul.u32 $0xF7A, s1;
	s8 =	simm.s32 @!p0 $0x1BF5;
	p2 =	por !p2, p0  }
0x20: {  	[sflag:s8] =	ssyncset.s32 @!p0 $0xFFFFF086;
	s6 =	sadd.s32 @!p0 s3, s7;
	s7 =	simm.s32 @!p0 $0x108  }
0x21: {  	s3 =	sadd.s32 s3, s9;
	s6 =	sadd.s32 @!p0 $0x88, s6;
	s7 =	simm.s32 @p2 $0x1082  }
0x22: {  	[simem:s7], [sflag:s8] =	dma.local @!p0 [hbm:s6], $0xF7A  }
0x23: {  	s9 =	sor.u32 $0xD0000000, s2;
	s6 =	simm.s32 $0x108;
	_ =	swait.ge @!p0 [sflag:s8], $0x0  }
0x24: {  	s3 =	sadd.s32 $0x88, s3;
	s6 =	simm.s32 @!p1 $0x1082;
	[sflag:s4] =	ssyncset.s32 $0xFFFFF086  }
0x25: {  	[simem:s6], [sflag:s4] =	dma.local [hbm:s3], $0xF7A  }
0x26: {  	[smem:$0x3F9F] =	sst s1;
	(tag) =	ssettag s2;
	_ =	strace s9  }
0x27: {  	s1 =	sld [smem:$0x3FAF]  }
0x28: {  	s2 =	sld [smem:$0x3FB0]  }
0x29: {  	s4 =	sld [smem:$0x3FB2]  }
0x2a: {  	p0 =	seq.s32 s5, $0x0;
	s5 =	sld [smem:$0x3FB3]  }
0x2b: {  	s6 =	sld [smem:$0x3FB4]  }
0x2c: {  	s7 =	sld [smem:$0x3FB5]  }
0x2d: {  	s3 =	simm.s32 $0x108;
	s8 =	sld [smem:$0x3FB6]  }
0x2e: {  	s3 =	simm.s32 @!p0 $0x1082;
	s9 =	sld [smem:$0x3FB7]  }
0x2f: {  	lr =	sadd.s32 s0, s3;
	s0 =	sld [smem:$0x3FAE]  }
0x30: {  	s3 =	sld [smem:$0x3FB1]  }
0x31: {  	[smem:$0x3FBA] =	sst s10  }
0x32: {  	s10 =	sld [smem:$0x3FB8];
	_ =	sdelay $0x3  }
0x33: {  	p0 =	seq.s32 s10, $0x1;
	s10 =	sld [smem:$0x3FBA];
	_ =	sdelay $0x3  }
0x34: {  	[smem:$0x3FBA] =	sst s10  }
0x35: {  	s10 =	sld [smem:$0x3FB9];
	_ =	sdelay $0x3  }
0x36: {  	p1 =	seq.s32 s10, $0x1;
	s10 =	sld [smem:$0x3FBA];
	_ =	sdelay $0x3  }
0x37: {  	[smem:$0x3FBA] =	sst s10  }
0x38: {  	s10 =	sld [smem:$0x3FBB]  }
0x39: {  	_ = 	snop;
	(pc) =	sbr.ind lr, $3  }
0x3a: {  	_ = 	snop  }
0x3b: {  	_ = 	snop  }
0x3c: {  	p2 =	seq.s32 s10, $0x1;
	s10 =	sld [smem:$0x3FBA]  }
0x3d: {  	_ =	shalt  }
0x3e: {  	_ =	shalt  }
0x3f: {  	_ =	shalt  }
0x40: {  	_ =	shalt  }
0x41: {  	_ =	shalt  }
0x42: {  	_ =	shalt  }
0x43: {  	_ =	shalt  }
0x44: {  	_ =	shalt  }
0x45: {  	_ =	shalt  }
0x46: {  	_ =	shalt  }
0x47: {  	_ =	shalt  }
0x48: {  	_ =	shalt  }
0x49: {  	_ =	shalt  }
0x4a: {  	_ =	shalt  }
0x4b: {  	_ =	shalt  }
0x4c: {  	_ =	shalt  }
0x4d: {  	_ =	shalt  }
0x4e: {  	_ =	shalt  }
0x4f: {  	_ =	shalt  }
0x50: {  	_ =	shalt  }
0x51: {  	_ =	shalt  }
0x52: {  	_ =	shalt  }
0x53: {  	_ =	shalt  }
0x54: {  	_ =	shalt  }
0x55: {  	_ =	shalt  }
0x56: {  	_ =	shalt  }
0x57: {  	_ =	shalt  }
0x58: {  	_ =	shalt  }
0x59: {  	_ =	shalt  }
0x5a: {  	_ =	shalt  }
0x5b: {  	_ =	shalt  }
0x5c: {  	_ =	shalt  }
0x5d: {  	_ =	shalt  }
0x5e: {  	_ =	shalt  }
0x5f: {  	_ =	shalt  }
0x60: {  	_ =	shalt  }
0x61: {  	_ =	shalt  }
0x62: {  	_ =	shalt  }
0x63: {  	_ =	shalt  }
0x64: {  	_ =	shalt  }
0x65: {  	_ =	shalt  }
0x66: {  	_ =	shalt  }
0x67: {  	_ =	shalt  }
0x68: {  	_ =	shalt  }
0x69: {  	_ =	shalt  }
0x6a: {  	_ =	shalt  }
0x6b: {  	_ =	shalt  }
0x6c: {  	_ =	shalt  }
0x6d: {  	_ =	shalt  }
0x6e: {  	_ =	shalt  }
0x6f: {  	_ =	shalt  }
0x70: {  	_ =	shalt  }
0x71: {  	_ =	shalt  }
0x72: {  	_ =	shalt  }
0x73: {  	_ =	shalt  }
0x74: {  	_ =	shalt  }
0x75: {  	_ =	shalt  }
0x76: {  	_ =	shalt  }
0x77: {  	_ =	shalt  }
0x78: {  	_ =	shalt  }
0x79: {  	_ =	shalt  }
0x7a: {  	_ =	shalt  }
0x7b: {  	_ =	shalt  }
0x7c: {  	_ =	shalt  }
0x7d: {  	_ =	shalt  }
0x7e: {  	_ =	shalt  }
0x7f: {  	_ =	shalt  }
0x80: {  	_ =	shalt  }
0x81: {  	_ =	shalt  }
0x82: {  	_ =	shalt  }
0x83: {  	_ =	shalt  }
0x84: {  	_ =	shalt  }
0x85: {  	_ =	shalt  }
0x86: {  	_ =	shalt  }
0x87: {  	_ =	shalt  }
.Lfunc_end0:
.L_simem_size_0:
called_computation_lowered:
.L_overlay_start_0:
0x88: {  	s2 =	sld [smem:$0x3FD9]  }
0x89: {  	s3 =	sld [smem:$0x3FFE];
	_ =	sdelay $0x1  }
0x8a: {  	s1 =	srdreg.scid  }
0x8b: {  	s0 =	sand.u32 $0x1, s1  }
0x8c: {  	s14 =	sshll.u32 s0, $0xA;
	s2 =	sadd.s32 s3, s2  }
0x8d: {  	s2 =	sadd.s32 s2, s14  }
0x8e: {  	[smem:$0x3FC6] =	sst s2  }
0x8f: {  	_ = 	snop  }
0x90: {  	s2 =	sld [smem:$0x3FD0];
	_ =	sdelay $0x2  }
0x91: {  	s15 =	simm.s32 $0xA;
	s4 =	simm.s32 $0x10  }
0x92: {  	[smem:s4], [sflag:s15] =	dma.local [hbm:s2], $0x1  }
0x93: {  	_ =	swait.eq [sflag:s15], $0x1  }
0x94: {  	[sflag:s15] =	ssyncset.done $0x0  }
0x95: {  	s16 =	sld [smem:$0x10];
	[sflag:s15] =	ssyncadd.s32 $0xFFFFFFFF  }
0x96: {  	s17 =	sld [smem:$0x11];
	(tm) =	ssettm $0x1  }
0x97: {  	s18 =	sld [smem:$0x3FFB];
	_ =	sdelay $0x3  }
0x98: {  	_ =	strace s18  }
0x99: {  	s4 =	sld [smem:$0x3FFC];
	_ =	sdelay $0x3  }
0x9a: {  	_ =	strace s4  }
0x9b: {  	s4 =	sld [smem:$0x3FFD];
	_ =	sdelay $0x3  }
0x9c: {  	_ =	strace s4  }
0x9d: {  	_ =	strace $0x8FFFFFFF  }
0x9e: {  	s19 =	sld [smem:$0x3FDB];
	_ =	sdelay $0x1  }
0x9f: {  	s5 =	simm.s32 $_scs_section_size  }
0xa0: {  	s6 =	simm.s32 $_size__tile_overlayer_lowered;
	s7 =	simm.s32 $_tile_overlayer_lowered  }
0xa1: {  	s22 =	simm.s32 $0x1BFF;
	s21 =	sshll.u32 s7, $0x1;
	s4 =	sadd.s32 s5, s19  }
0xa2: {  	s8 =	simm.s32 $0x0;
	s20 =	sshll.u32 s6, $0x1;
	s6 =	sadd.s32 s21, s4  }
0xa3: {  	[timem:s8], [sflag:s22] =	dma.local [hbm:s6], s20  }
0xa4: {  	_ =	swait.ge [sflag:s22], s20  }
0xa5: {  	s5 =	ssub.s32 $0x0, s20;
	[sflag:s22] =	ssyncset.done $0x0  }
0xa6: {  	[sflag:s22] =	ssyncadd.s32 s5;
	_ =	sdelay $0x1  }
0xa7: {  	s23 =	simm.s32 $0x1B8B  }
0xa8: {  	_ =	swait.ge [sflag:s23], $0x1  }
0xa9: {  	[sflag:s23] =	ssyncset.done $0x0  }
0xaa: {  	s25 =	simm.s32 $0x1B8E;
	s24 =	sld [smem:$0x3FFE];
	[sflag:s23] =	ssyncadd.s32 $0xFFFFFFFF  }
0xab: {  	s26 =	simm.s32 $execute0_lowered;
	[smem:$0x3FD2] =	sst s25  }
0xac: {  	s6 =	sshll.u32 s26, $0x1;
	_ =	strace $0x80000046;
	[dreg:$0x1] =	wrdreg $0xFFFFFFFF  }
0xad: {  	s28 =	simm.s32 $_size_execute0_lowered;
	s4 =	sadd.s32 s4, s6;
	[dreg:$0x0] =	wrdreg $0x0  }
0xae: {  	s6 =	sshll.u32 s28, $0x1;
	[dreg:$0x2] =	wrdreg s4  }
0xaf: {  	[dreg:$0x3] =	wrdreg s6  }
0xb0: {  	[dreg:$0x4] =	wrdreg $0xC0  }
0xb1: {  	_ =	task [dreg:s8], $0x5FFFF  }
0xb2: {  	[dreg:$0x1] =	wrdreg $0xFFFFFFFF  }
0xb3: {  	[dreg:$0x0] =	wrdreg $0x60  }
0xb4: {  	[dreg:$0x2] =	wrdreg s17  }
0xb5: {  	[dreg:$0x3] =	wrdreg s16  }
0xb6: {  	[dreg:$0x4] =	wrdreg s24  }
0xb7: {  	[dreg:$0x5] =	wrdreg $0x9  }
0xb8: {  	_ =	task.clear_ibuf [dreg:s8], $0x6FFFF;
	_ =	strace $0x90000046  }
0xb9: {  	s29 =	simm.s32 $0x9;
	_ =	strace $0x80000048  }
0xba: {  	_ =	swait.ge [sflag:s29], $0x1  }
0xbb: {  	[sflag:s29] =	ssyncadd.s32 $0xFFFFFFFF  }
0xbc: {  	_ =	strace $0x90000048  }
0xbd: {  	_ =	sfence  }
0xbe: {  	s30 =	sld [smem:$0x0];
	_ =	sdelay $0x2  }
0xbf: {  	s31 =	sshll.u32 s1, $0xD;
	s1 =	sshrl.u32 s1, $0x2  }
0xc0: {  	s3 =	sand.u32 $0x4000, s31;
	s1 =	sadd.s32 s1, s30  }
0xc1: {  	s0 =	sor.u32 s3, s0;
	s1 =	sshll.u32 s1, $0x11  }
0xc2: {  	s0 =	sor.u32 s1, s0  }
0xc3: {  	s0 =	sadd.s32 $0x8F2B, s0  }
0xc4: {  	[sflag:s0] =	ssyncadd.remote.s32 $0x1  }
0xc5: {  	_ =	sfence.sel $0xFFFF  }
0xc6: {  	[dreg:$0x0] =	wrdreg $0xFFFFFFFF;
	(pc) =	sbr.abs _section_cstart, $3  }
0xc7: {  	[dreg:$0x1] =	wrdreg $0xFFFFFFFF  }
0xc8: {  	_ =	task.clear_ibuf [dreg:s8], $0x2FFFF;
	_ =	strace $0x9FFFFFFF  }
0xc9: {  	(tm) =	ssettm $0x7FFFFFFF  }
tec
execute0_lowered:
.L_overlay_start_1:
0x0: {  	(tag) =	ssettag $0x1  }
0x1: {  	s1 =	rddreg [dreg:$0x0]  }
0x2: {  	s2 =	rddreg [dreg:$0x1]  }
0x3: {  	s0 =	rddreg [dreg:$0x2];
	s4 =	simm.s32 $0x0;
	s5 =	srdreg.scid  }
0x4: {  	s3 =	stileid.u32;
	s17 =	simm.s32 $0x4000;
	s18 =	simm.s32 $0x8000  }
0x5: {  	s19 =	simm.s32 $0x2000;
	s20 =	simm.s32 $0x6000;
	s21 =	simm.s32 $0xA000  }
0x6: {  	s22 =	simm.s32 $0x1;
	s23 =	simm.s32 $0xC000;
	s24 =	simm.s32 $0xE000  }
0x7: {  	s26 =	simm.s32 $0x3;
	s28 =	simm.s32 $0x0;
	[smem:$0x7FF] =	sst s4  }
0x8: {  	s6 =	sand.u32 $0x1, s5;
	s30 =	sshll.u32 s3, $0x1;
	s5 =	sadd.s32 $0x1400, s0  }
0x9: {  	_ =	strace $0x80000047;
	s25 =	sor.u32 s6, s30;
	s6 =	ssub.s32 $0x2, s6  }
0xa: {  	s7 =	sshll.u32 s25, $0xA;
	s8 =	sshll.u32 s25, $0x9;
	s31 =	sshrl.u32 s6, $0x1  }
0xb: {  	s12 =	sadd.s32 $0x2, s25;
	s13 =	sadd.s32 $0x3, s25;
	v0 =	vmov s25;
	s25 =	simm.s32 $0x2  }
0xc: {  	s14 =	sadd.s32 s7, s0;
	s0 =	sadd.s32 s8, s0;
	s9 =	sand.u32 $0x3C00, s7  }
0xd: {  	s7 =	sadd.s32 $0x400, s7;
	s16 =	ssub.s32 s6, s31;
	s6 =	sadd.s32 s1, s9  }
0xe: {  	s11 =	sand.u32 $0x3C00, s7;
	s7 =	sadd.s32 s2, s9;
	s8 =	sadd.s32 s5, s9  }
0xf: {  	s14 =	sadd.s32 $0x5400, s14;
	s15 =	sadd.s32 $0xD400, s0;
	s16 =	smax.u32 s16, $0x1  }
0x10: {  	v1 =	vimm.f32 $0.0e+00;
	v2 =	vimm.s32 $0x0;
	s9 =	sadd.s32 s1, s11;
	s10 =	sadd.s32 s2, s11;
	s11 =	sadd.s32 s5, s11  }
.LBB2_1:
0x11: {  	s0 =	simm.s32 $0x0  }
.LBB2_2:
0x12: {  	p0 =	sne.s32 s0, $0x7FC0  }
.Ltmp0:
0x13: {  	_ = 	snop;
	(pc) =	sbr.rel @p0 .LBB2_2-.Ltmp0, $3  }
0x14: {  	_ =	sdelay $0x1  }
0x15: {  	s29 =	sshra.s32 s0, $0x2  }
0x16: {  	s0 =	sadd.s32 $0x40, s0;
	[tilespmem:s29+$0xC000] =	vst v1  }
0x17: {  	s0 =	simm.s32 $0x40;
	s29 =	simm.s32 $0x0  }
.LBB2_4:
0x18: {  	p0 =	sne.s32 s0, $0x3FC0;
	[tilespmem:s29+$0xE000] =	vst v2;
	s29 =	smov.u32 s0;
	s0 =	sadd.s32 $0x40, s0  }
.Ltmp1:
0x19: {  	(pc) =	sbr.rel @p0 .LBB2_4-.Ltmp1, $2  }
0x1a: {  	_ =	sdelay $0x2  }
0x1b: {  	s29 =	sshra.s32 s29, $0x2  }
0x1c: {  	[tilespmem:s29+$0xE000] =	vst v2;
	s29 =	simm.s32 $0x0  }
0x1d: {  	[tilespmem:s29], [sflag:$0x1] =	stream.linear.gather [hbm4b:s6+s29], $0x2000, $0x38;
	[tilespmem:$0xF000] =	vst v63  }
0x1e: {  	_ = 	snop  }
0x1f: {  	[tilespmem:s17], [sflag:$0x1] =	stream.linear.gather [hbm4b:s7+s29], $0x2000, $0x38;
	[tilespmem:$0xF000] =	vst v63  }
0x20: {  	_ = 	snop  }
0x21: {  	[tilespmem:s18], [sflag:$0x1] =	stream.linear.gather [hbm4b:s8+s29], $0x2000, $0x38;
	[tilespmem:$0xF000] =	vst v63  }
0x22: {  	_ = 	snop  }
0x23: {  	[tilespmem:s19], [sflag:$0x2] =	stream.linear.gather [hbm4b:s9+s29], $0x2000, $0x38;
	[tilespmem:$0xF000] =	vst v63  }
0x24: {  	_ = 	snop  }
0x25: {  	[tilespmem:s20], [sflag:$0x2] =	stream.linear.gather [hbm4b:s10+s29], $0x2000, $0x38;
	[tilespmem:$0xF000] =	vst v63  }
0x26: {  	_ = 	snop  }
0x27: {  	[tilespmem:s21], [sflag:$0x2] =	stream.linear.gather [hbm4b:s11+s29], $0x2000, $0x38;
	[tilespmem:$0xF000] =	vst v63  }
.LBB2_6:
0x28: {  	_ =	swait.ge [sflag:s22], $0x2000  }
0x29: {  	[sflag:s22] =	ssyncset.done $0x0  }
0x2a: {  	[sflag:s22] =	ssyncadd.s32 $0xFFFFE000  }
0x2b: {  	_ =	swait.ge [sflag:s22], $0x2000  }
0x2c: {  	[sflag:s22] =	ssyncset.done $0x0  }
0x2d: {  	[sflag:s22] =	ssyncadd.s32 $0xFFFFE000  }
0x2e: {  	_ =	swait.ge [sflag:s22], $0x2000  }
0x2f: {  	[sflag:s22] =	ssyncset.done $0x0  }
0x30: {  	s30 =	simm.s32 $0x0;
	[sflag:s22] =	ssyncadd.s32 $0xFFFFE000  }
.LBB2_7:
0x31: {  	s31 =	sshra.s32 s30, $0x2  }
0x32: {  	v3 =	vld [tilespmem:s31+$0x0];
	_ =	sdelay $0x4  }
0x33: {  	v4 =	vshrl.u32 v3, $0xC  }
0x34: {  	v5 =	vshll.u32 v3, $0x1;
	v4 =	vand.u32 $0x1F, v4  }
0x35: {  	v13 =	vand.u32 $0x7FF, v3;
	v12 =	vand.u32 $0x1000, v5;
	vm0 =	veq.s32 v4, v0  }
0x36: {  	v6 =	vld [tilespmem:s31+$0x4000];
	v4 =	vor.u32 v13, v12  }
0x37: {  	v14 =	vld [tilespmem:s31+$0x8000];
	v7 =	vor.u32 $0x800, v4  }
0x38: {  	v8 =	vand.u32 $0xFFF, v3;
	_ =	sdelay $0x2  }
0x39: {  	[tilespmem:v4+s23+$0x0] =	vst.idx.msk vm0, v6  }
0x3a: {  	v3 =	vshra.s32 v3, $0x11;
	[tilespmem:v7+s23+$0x0] =	vst.idx.msk vm0, v14  }
0x3b: {  	[tilespmem:v8+s24+$0x0] =	vst.idx.msk vm0, v3  }
0x3c: {  	v3 =	vld [tilespmem:s31+$0x10];
	_ =	sdelay $0x4  }
0x3d: {  	v15 =	vshrl.u32 v3, $0xC  }
0x3e: {  	v16 =	vshll.u32 v3, $0x1;
	v4 =	vand.u32 $0x1F, v15  }
0x3f: {  	v18 =	vand.u32 $0x7FF, v3;
	v17 =	vand.u32 $0x1000, v16;
	vm9 =	veq.s32 v4, v0  }
0x40: {  	v6 =	vld [tilespmem:s31+$0x4010];
	v4 =	vor.u32 v18, v17  }
0x41: {  	v19 =	vld [tilespmem:s31+$0x8010];
	v20 =	vor.u32 $0x800, v4  }
0x42: {  	v21 =	vand.u32 $0xFFF, v3;
	_ =	sdelay $0x2  }
0x43: {  	[tilespmem:v4+s23+$0x0] =	vst.idx.msk vm9, v6  }
0x44: {  	v3 =	vshra.s32 v3, $0x11;
	[tilespmem:v20+s23+$0x0] =	vst.idx.msk vm9, v19  }
0x45: {  	[tilespmem:v21+s24+$0x0] =	vst.idx.msk vm9, v3  }
0x46: {  	v3 =	vld [tilespmem:s31+$0x20];
	_ =	sdelay $0x4  }
0x47: {  	v22 =	vshrl.u32 v3, $0xC  }
0x48: {  	v23 =	vshll.u32 v3, $0x1;
	v4 =	vand.u32 $0x1F, v22  }
0x49: {  	v25 =	vand.u32 $0x7FF, v3;
	v24 =	vand.u32 $0x1000, v23;
	vm10 =	veq.s32 v4, v0  }
0x4a: {  	v6 =	vld [tilespmem:s31+$0x4020];
	v4 =	vor.u32 v25, v24  }
0x4b: {  	v26 =	vld [tilespmem:s31+$0x8020];
	v27 =	vor.u32 $0x800, v4  }
0x4c: {  	v28 =	vand.u32 $0xFFF, v3;
	_ =	sdelay $0x2  }
0x4d: {  	[tilespmem:v4+s23+$0x0] =	vst.idx.msk vm10, v6  }
0x4e: {  	v3 =	vshra.s32 v3, $0x11;
	[tilespmem:v27+s23+$0x0] =	vst.idx.msk vm10, v26  }
0x4f: {  	[tilespmem:v28+s24+$0x0] =	vst.idx.msk vm10, v3  }
0x50: {  	v3 =	vld [tilespmem:s31+$0x30];
	_ =	sdelay $0x4  }
0x51: {  	v29 =	vshrl.u32 v3, $0xC  }
0x52: {  	v30 =	vshll.u32 v3, $0x1;
	v4 =	vand.u32 $0x1F, v29  }
0x53: {  	v32 =	vand.u32 $0x7FF, v3;
	v31 =	vand.u32 $0x1000, v30;
	vm11 =	veq.s32 v4, v0  }
0x54: {  	v6 =	vld [tilespmem:s31+$0x4030];
	v4 =	vor.u32 v32, v31  }
0x55: {  	v33 =	vld [tilespmem:s31+$0x8030];
	v34 =	vor.u32 $0x800, v4  }
0x56: {  	v35 =	vand.u32 $0xFFF, v3;
	_ =	sdelay $0x2  }
0x57: {  	[tilespmem:v4+s23+$0x0] =	vst.idx.msk vm11, v6  }
0x58: {  	v3 =	vshra.s32 v3, $0x11;
	[tilespmem:v34+s23+$0x0] =	vst.idx.msk vm11, v33  }
0x59: {  	[tilespmem:v35+s24+$0x0] =	vst.idx.msk vm11, v3  }
0x5a: {  	v3 =	vld [tilespmem:s31+$0x40];
	_ =	sdelay $0x4  }
0x5b: {  	v36 =	vshrl.u32 v3, $0xC  }
0x5c: {  	v37 =	vshll.u32 v3, $0x1;
	v4 =	vand.u32 $0x1F, v36  }
0x5d: {  	v39 =	vand.u32 $0x7FF, v3;
	v38 =	vand.u32 $0x1000, v37;
	vm12 =	veq.s32 v4, v0  }
0x5e: {  	v6 =	vld [tilespmem:s31+$0x4040];
	v4 =	vor.u32 v39, v38  }
0x5f: {  	v40 =	vld [tilespmem:s31+$0x8040];
	v41 =	vor.u32 $0x800, v4  }
0x60: {  	v42 =	vand.u32 $0xFFF, v3;
	_ =	sdelay $0x2  }
0x61: {  	[tilespmem:v4+s23+$0x0] =	vst.idx.msk vm12, v6  }
0x62: {  	v3 =	vshra.s32 v3, $0x11;
	[tilespmem:v41+s23+$0x0] =	vst.idx.msk vm12, v40  }
0x63: {  	[tilespmem:v42+s24+$0x0] =	vst.idx.msk vm12, v3  }
0x64: {  	v3 =	vld [tilespmem:s31+$0x50];
	_ =	sdelay $0x4  }
0x65: {  	v43 =	vshrl.u32 v3, $0xC  }
0x66: {  	v44 =	vshll.u32 v3, $0x1;
	v4 =	vand.u32 $0x1F, v43  }
0x67: {  	v46 =	vand.u32 $0x7FF, v3;
	v45 =	vand.u32 $0x1000, v44;
	vm13 =	veq.s32 v4, v0  }
0x68: {  	v6 =	vld [tilespmem:s31+$0x4050];
	v4 =	vor.u32 v46, v45  }
0x69: {  	v47 =	vld [tilespmem:s31+$0x8050];
	v48 =	vor.u32 $0x800, v4  }
0x6a: {  	v49 =	vand.u32 $0xFFF, v3;
	_ =	sdelay $0x2  }
0x6b: {  	[tilespmem:v4+s23+$0x0] =	vst.idx.msk vm13, v6  }
0x6c: {  	v3 =	vshra.s32 v3, $0x11;
	[tilespmem:v48+s23+$0x0] =	vst.idx.msk vm13, v47  }
0x6d: {  	[tilespmem:v49+s24+$0x0] =	vst.idx.msk vm13, v3  }
0x6e: {  	v3 =	vld [tilespmem:s31+$0x60];
	_ =	sdelay $0x4  }
0x6f: {  	v50 =	vshrl.u32 v3, $0xC  }
0x70: {  	v51 =	vshll.u32 v3, $0x1;
	v4 =	vand.u32 $0x1F, v50  }
0x71: {  	v53 =	vand.u32 $0x7FF, v3;
	v52 =	vand.u32 $0x1000, v51;
	vm14 =	veq.s32 v4, v0  }
0x72: {  	v6 =	vld [tilespmem:s31+$0x4060];
	v4 =	vor.u32 v53, v52  }
0x73: {  	v54 =	vld [tilespmem:s31+$0x8060];
	v55 =	vor.u32 $0x800, v4  }
0x74: {  	v56 =	vand.u32 $0xFFF, v3;
	_ =	sdelay $0x2  }
0x75: {  	[tilespmem:v4+s23+$0x0] =	vst.idx.msk vm14, v6  }
0x76: {  	v3 =	vshra.s32 v3, $0x11;
	[tilespmem:v55+s23+$0x0] =	vst.idx.msk vm14, v54  }
0x77: {  	[tilespmem:v56+s24+$0x0] =	vst.idx.msk vm14, v3  }
0x78: {  	v3 =	vld [tilespmem:s31+$0x70];
	_ =	sdelay $0x4  }
0x79: {  	v57 =	vshrl.u32 v3, $0xC  }
0x7a: {  	v58 =	vshll.u32 v3, $0x1;
	v4 =	vand.u32 $0x1F, v57  }
0x7b: {  	v60 =	vand.u32 $0x7FF, v3;
	v59 =	vand.u32 $0x1000, v58;
	vm15 =	veq.s32 v4, v0  }
0x7c: {  	v6 =	vld [tilespmem:s31+$0x4070];
	v4 =	vor.u32 v60, v59  }
0x7d: {  	v61 =	vld [tilespmem:s31+$0x8070];
	v62 =	vor.u32 $0x800, v4  }
0x7e: {  	p0 =	sne.s32 s30, $0x7E00;
	v63 =	vand.u32 $0xFFF, v3  }
.Ltmp2:
0x7f: {  	_ = 	snop;
	(pc) =	sbr.rel @p0 .LBB2_7-.Ltmp2, $4  }
0x80: {  	_ = 	snop  }
0x81: {  	[tilespmem:v4+s23+$0x0] =	vst.idx.msk vm15, v6  }
0x82: {  	v3 =	vshra.s32 v3, $0x11;
	[tilespmem:v62+s23+$0x0] =	vst.idx.msk vm15, v61  }
0x83: {  	s30 =	sadd.s32 $0x200, s30;
	[tilespmem:v63+s24+$0x0] =	vst.idx.msk vm15, v3  }
0x84: {  	s30 =	sshll.u32 s29, $0x1  }
0x85: {  	s0 =	smin.u32 s30, $0xD  }
0x86: {  	s0 =	sadd.s32 s0, s12  }
0x87: {  	s0 =	sshll.u32 s0, $0xA  }
0x88: {  	s0 =	sand.u32 $0x3C00, s0  }
0x89: {  	s31 =	simm.s32 $0x0;
	s3 =	sadd.s32 s1, s0  }
0x8a: {  	[tilespmem:s31], [sflag:$0x1] =	stream.linear.gather [hbm4b:s3+s31], $0x2000, $0x38;
	[tilespmem:$0xF000] =	vst v63  }
0x8b: {  	s3 =	sadd.s32 s2, s0  }
0x8c: {  	[tilespmem:s17], [sflag:$0x1] =	stream.linear.gather [hbm4b:s3+s31], $0x2000, $0x38;
	[tilespmem:$0xF000] =	vst v63  }
0x8d: {  	s0 =	sadd.s32 s5, s0  }
0x8e: {  	[tilespmem:s18], [sflag:$0x1] =	stream.linear.gather [hbm4b:s0+s31], $0x2000, $0x38;
	[tilespmem:$0xF000] =	vst v63  }
0x8f: {  	_ =	swait.ge [sflag:s25], $0x2000  }
0x90: {  	[sflag:s25] =	ssyncset.done $0x0  }
0x91: {  	[sflag:s25] =	ssyncadd.s32 $0xFFFFE000  }
0x92: {  	_ =	swait.ge [sflag:s25], $0x2000  }
0x93: {  	[sflag:s25] =	ssyncset.done $0x0  }
0x94: {  	[sflag:s25] =	ssyncadd.s32 $0xFFFFE000  }
0x95: {  	_ =	swait.ge [sflag:s25], $0x2000  }
0x96: {  	[sflag:s25] =	ssyncset.done $0x0  }
0x97: {  	[sflag:s25] =	ssyncadd.s32 $0xFFFFE000  }
.LBB2_9:
0x98: {  	s0 =	sshra.s32 s31, $0x2  }
0x99: {  	v3 =	vld [tilespmem:s0+$0x2000];
	_ =	sdelay $0x4  }
0x9a: {  	v4 =	vshrl.u32 v3, $0xC  }
0x9b: {  	v5 =	vshll.u32 v3, $0x1;
	v4 =	vand.u32 $0x1F, v4  }
0x9c: {  	v13 =	vand.u32 $0x7FF, v3;
	v12 =	vand.u32 $0x1000, v5;
	vm0 =	veq.s32 v4, v0  }
0x9d: {  	v6 =	vld [tilespmem:s0+$0x6000];
	v4 =	vor.u32 v13, v12  }
0x9e: {  	v14 =	vld [tilespmem:s0+$0xA000];
	v7 =	vor.u32 $0x800, v4  }
0x9f: {  	v8 =	vand.u32 $0xFFF, v3;
	_ =	sdelay $0x2  }
0xa0: {  	[tilespmem:v4+s23+$0x0] =	vst.idx.msk vm0, v6  }
0xa1: {  	v3 =	vshra.s32 v3, $0x11;
	[tilespmem:v7+s23+$0x0] =	vst.idx.msk vm0, v14  }
0xa2: {  	[tilespmem:v8+s24+$0x0] =	vst.idx.msk vm0, v3  }
0xa3: {  	v3 =	vld [tilespmem:s0+$0x2010];
	_ =	sdelay $0x4  }
0xa4: {  	v15 =	vshrl.u32 v3, $0xC  }
0xa5: {  	v16 =	vshll.u32 v3, $0x1;
	v4 =	vand.u32 $0x1F, v15  }
0xa6: {  	v18 =	vand.u32 $0x7FF, v3;
	v17 =	vand.u32 $0x1000, v16;
	vm9 =	veq.s32 v4, v0  }
0xa7: {  	v6 =	vld [tilespmem:s0+$0x6010];
	v4 =	vor.u32 v18, v17  }
0xa8: {  	v19 =	vld [tilespmem:s0+$0xA010];
	v20 =	vor.u32 $0x800, v4  }
0xa9: {  	v21 =	vand.u32 $0xFFF, v3;
	_ =	sdelay $0x2  }
0xaa: {  	[tilespmem:v4+s23+$0x0] =	vst.idx.msk vm9, v6  }
0xab: {  	v3 =	vshra.s32 v3, $0x11;
	[tilespmem:v20+s23+$0x0] =	vst.idx.msk vm9, v19  }
0xac: {  	[tilespmem:v21+s24+$0x0] =	vst.idx.msk vm9, v3  }
0xad: {  	v3 =	vld [tilespmem:s0+$0x2020];
	_ =	sdelay $0x4  }
0xae: {  	v22 =	vshrl.u32 v3, $0xC  }
0xaf: {  	v23 =	vshll.u32 v3, $0x1;
	v4 =	vand.u32 $0x1F, v22  }
0xb0: {  	v25 =	vand.u32 $0x7FF, v3;
	v24 =	vand.u32 $0x1000, v23;
	vm10 =	veq.s32 v4, v0  }
0xb1: {  	v6 =	vld [tilespmem:s0+$0x6020];
	v4 =	vor.u32 v25, v24  }
0xb2: {  	v26 =	vld [tilespmem:s0+$0xA020];
	v27 =	vor.u32 $0x800, v4  }
0xb3: {  	v28 =	vand.u32 $0xFFF, v3;
	_ =	sdelay $0x2  }
0xb4: {  	[tilespmem:v4+s23+$0x0] =	vst.idx.msk vm10, v6  }
0xb5: {  	v3 =	vshra.s32 v3, $0x11;
	[tilespmem:v27+s23+$0x0] =	vst.idx.msk vm10, v26  }
0xb6: {  	[tilespmem:v28+s24+$0x0] =	vst.idx.msk vm10, v3  }
0xb7: {  	v3 =	vld [tilespmem:s0+$0x2030];
	_ =	sdelay $0x4  }
0xb8: {  	v29 =	vshrl.u32 v3, $0xC  }
0xb9: {  	v30 =	vshll.u32 v3, $0x1;
	v4 =	vand.u32 $0x1F, v29  }
0xba: {  	v32 =	vand.u32 $0x7FF, v3;
	v31 =	vand.u32 $0x1000, v30;
	vm11 =	veq.s32 v4, v0  }
0xbb: {  	v6 =	vld [tilespmem:s0+$0x6030];
	v4 =	vor.u32 v32, v31  }
0xbc: {  	v33 =	vld [tilespmem:s0+$0xA030];
	v34 =	vor.u32 $0x800, v4  }
0xbd: {  	v35 =	vand.u32 $0xFFF, v3;
	_ =	sdelay $0x2  }
0xbe: {  	[tilespmem:v4+s23+$0x0] =	vst.idx.msk vm11, v6  }
0xbf: {  	v3 =	vshra.s32 v3, $0x11;
	[tilespmem:v34+s23+$0x0] =	vst.idx.msk vm11, v33  }
0xc0: {  	[tilespmem:v35+s24+$0x0] =	vst.idx.msk vm11, v3  }
0xc1: {  	v3 =	vld [tilespmem:s0+$0x2040];
	_ =	sdelay $0x4  }
0xc2: {  	v36 =	vshrl.u32 v3, $0xC  }
0xc3: {  	v37 =	vshll.u32 v3, $0x1;
	v4 =	vand.u32 $0x1F, v36  }
0xc4: {  	v39 =	vand.u32 $0x7FF, v3;
	v38 =	vand.u32 $0x1000, v37;
	vm12 =	veq.s32 v4, v0  }
0xc5: {  	v6 =	vld [tilespmem:s0+$0x6040];
	v4 =	vor.u32 v39, v38  }
0xc6: {  	v40 =	vld [tilespmem:s0+$0xA040];
	v41 =	vor.u32 $0x800, v4  }
0xc7: {  	v42 =	vand.u32 $0xFFF, v3;
	_ =	sdelay $0x2  }
0xc8: {  	[tilespmem:v4+s23+$0x0] =	vst.idx.msk vm12, v6  }
0xc9: {  	v3 =	vshra.s32 v3, $0x11;
	[tilespmem:v41+s23+$0x0] =	vst.idx.msk vm12, v40  }
0xca: {  	[tilespmem:v42+s24+$0x0] =	vst.idx.msk vm12, v3  }
0xcb: {  	v3 =	vld [tilespmem:s0+$0x2050];
	_ =	sdelay $0x4  }
0xcc: {  	v43 =	vshrl.u32 v3, $0xC  }
0xcd: {  	v44 =	vshll.u32 v3, $0x1;
	v4 =	vand.u32 $0x1F, v43  }
0xce: {  	v46 =	vand.u32 $0x7FF, v3;
	v45 =	vand.u32 $0x1000, v44;
	vm13 =	veq.s32 v4, v0  }
0xcf: {  	v6 =	vld [tilespmem:s0+$0x6050];
	v4 =	vor.u32 v46, v45  }
0xd0: {  	v47 =	vld [tilespmem:s0+$0xA050];
	v48 =	vor.u32 $0x800, v4  }
0xd1: {  	v49 =	vand.u32 $0xFFF, v3;
	_ =	sdelay $0x2  }
0xd2: {  	[tilespmem:v4+s23+$0x0] =	vst.idx.msk vm13, v6  }
0xd3: {  	v3 =	vshra.s32 v3, $0x11;
	[tilespmem:v48+s23+$0x0] =	vst.idx.msk vm13, v47  }
0xd4: {  	[tilespmem:v49+s24+$0x0] =	vst.idx.msk vm13, v3  }
0xd5: {  	v3 =	vld [tilespmem:s0+$0x2060];
	_ =	sdelay $0x4  }
0xd6: {  	v50 =	vshrl.u32 v3, $0xC  }
0xd7: {  	v51 =	vshll.u32 v3, $0x1;
	v4 =	vand.u32 $0x1F, v50  }
0xd8: {  	v53 =	vand.u32 $0x7FF, v3;
	v52 =	vand.u32 $0x1000, v51;
	vm14 =	veq.s32 v4, v0  }
0xd9: {  	v6 =	vld [tilespmem:s0+$0x6060];
	v4 =	vor.u32 v53, v52  }
0xda: {  	v54 =	vld [tilespmem:s0+$0xA060];
	v55 =	vor.u32 $0x800, v4  }
0xdb: {  	v56 =	vand.u32 $0xFFF, v3;
	_ =	sdelay $0x2  }
0xdc: {  	[tilespmem:v4+s23+$0x0] =	vst.idx.msk vm14, v6  }
0xdd: {  	v3 =	vshra.s32 v3, $0x11;
	[tilespmem:v55+s23+$0x0] =	vst.idx.msk vm14, v54  }
0xde: {  	[tilespmem:v56+s24+$0x0] =	vst.idx.msk vm14, v3  }
0xdf: {  	v3 =	vld [tilespmem:s0+$0x2070];
	_ =	sdelay $0x4  }
0xe0: {  	v57 =	vshrl.u32 v3, $0xC  }
0xe1: {  	v58 =	vshll.u32 v3, $0x1;
	v4 =	vand.u32 $0x1F, v57  }
0xe2: {  	v60 =	vand.u32 $0x7FF, v3;
	v59 =	vand.u32 $0x1000, v58;
	vm15 =	veq.s32 v4, v0  }
0xe3: {  	v6 =	vld [tilespmem:s0+$0x6070];
	v4 =	vor.u32 v60, v59  }
0xe4: {  	v61 =	vld [tilespmem:s0+$0xA070];
	v62 =	vor.u32 $0x800, v4  }
0xe5: {  	p0 =	sne.s32 s31, $0x7E00;
	v63 =	vand.u32 $0xFFF, v3  }
.Ltmp3:
0xe6: {  	_ = 	snop;
	(pc) =	sbr.rel @p0 .LBB2_9-.Ltmp3, $4  }
0xe7: {  	_ = 	snop  }
0xe8: {  	[tilespmem:v4+s23+$0x0] =	vst.idx.msk vm15, v6  }
0xe9: {  	v3 =	vshra.s32 v3, $0x11;
	[tilespmem:v62+s23+$0x0] =	vst.idx.msk vm15, v61  }
0xea: {  	s31 =	sadd.s32 $0x200, s31;
	[tilespmem:v63+s24+$0x0] =	vst.idx.msk vm15, v3  }
0xeb: {  	s0 =	smin.u32 s30, $0xC  }
0xec: {  	s0 =	sadd.s32 s0, s13  }
0xed: {  	s0 =	sshll.u32 s0, $0xA  }
0xee: {  	s29 =	sadd.s32 $0x1, s29;
	s0 =	sand.u32 $0x3C00, s0  }
0xef: {  	p0 =	sne.s32 s29, $0x8;
	s3 =	sadd.s32 s1, s0  }
0xf0: {  	[tilespmem:s19], [sflag:$0x2] =	stream.linear.gather [hbm4b:s3+s4], $0x2000, $0x38;
	[tilespmem:$0xF000] =	vst v63  }
.Ltmp4:
0xf1: {  	_ = 	snop;
	(pc) =	sbr.rel @p0 .LBB2_6-.Ltmp4, $4  }
0xf2: {  	s31 =	sadd.s32 s2, s0  }
0xf3: {  	[tilespmem:s20], [sflag:$0x2] =	stream.linear.gather [hbm4b:s31+s4], $0x2000, $0x38;
	[tilespmem:$0xF000] =	vst v63  }
0xf4: {  	s0 =	sadd.s32 s5, s0  }
0xf5: {  	[tilespmem:s21], [sflag:$0x2] =	stream.linear.gather [hbm4b:s0+s4], $0x2000, $0x38;
	[tilespmem:$0xF000] =	vst v63  }
0xf6: {  	_ =	swait.ge [sflag:s22], $0x2000  }
0xf7: {  	[sflag:s22] =	ssyncset.done $0x0  }
0xf8: {  	[sflag:s22] =	ssyncadd.s32 $0xFFFFE000  }
0xf9: {  	_ =	swait.ge [sflag:s22], $0x2000  }
0xfa: {  	[sflag:s22] =	ssyncset.done $0x0  }
0xfb: {  	[sflag:s22] =	ssyncadd.s32 $0xFFFFE000  }
0xfc: {  	_ =	swait.ge [sflag:s22], $0x2000  }
0xfd: {  	[sflag:s22] =	ssyncset.done $0x0  }
0xfe: {  	[sflag:s22] =	ssyncadd.s32 $0xFFFFE000  }
0xff: {  	_ =	swait.ge [sflag:s25], $0x2000  }
0x100: {  	[sflag:s25] =	ssyncset.done $0x0  }
0x101: {  	[sflag:s25] =	ssyncadd.s32 $0xFFFFE000  }
0x102: {  	_ =	swait.ge [sflag:s25], $0x2000  }
0x103: {  	[sflag:s25] =	ssyncset.done $0x0  }
0x104: {  	[sflag:s25] =	ssyncadd.s32 $0xFFFFE000  }
0x105: {  	_ =	swait.ge [sflag:s25], $0x2000  }
0x106: {  	[sflag:s25] =	ssyncset.done $0x0  }
0x107: {  	[sflag:s25] =	ssyncadd.s32 $0xFFFFE000  }
0x108: {  	[hbm4b:s14+s4] =	stream.linear.scatter [tilespmem:s23], [sflag:$0x3], $0x2000, $0x38;
	[tilespmem:$0xF000] =	vst v63  }
0x109: {  	s28 =	sadd.s32 $0x1, s28;
	_ =	swait.ge [sflag:s26], $0x2000  }
0x10a: {  	p0 =	sne.s32 s28, s16;
	[sflag:s26] =	ssyncset.done $0x0  }
.Ltmp5:
0x10b: {  	[sflag:s26] =	ssyncadd.s32 $0xFFFFE000;
	(pc) =	sbr.rel @p0 .LBB2_1-.Ltmp5, $4  }
0x10c: {  	[hbm4b:s15+s4] =	stream.linear.scatter [tilespmem:s24], [sflag:$0x3], $0x1000, $0x38;
	[tilespmem:$0xF000] =	vst v63  }
0x10d: {  	_ =	swait.ge [sflag:s26], $0x1000  }
0x10e: {  	[sflag:s26] =	ssyncset.done $0x0  }
0x10f: {  	[sflag:s26] =	ssyncadd.s32 $0xFFFFF000  }
0x110: {  	_ =	sfence.sel $0x180000  }
0x111: {  	[bflag:$0x0] =	sbarrier.arrive $0xFFFF  }
0x112: {  	_ =	strace $0x90000047  }
0x113: {  	s0 =	stileid.u32;
	[bflag:$0x2] =	sbarrier.arrive $0xFFFF  }
0x114: {  	p0 =	sne.s32 s0, $0x0;
	s0 =	rddreg [dreg:$0x3]  }
0x115: {  	s0 =	sadd.s32 @!p0 $0x100000, s0  }
0x116: {  	[sflag:s0] =	ssyncadd.tile.s32 @!p0 $0x1;
	_ =	shalt  }
.Lfunc_end2:
_tile_overlayer_lowered:
.L_overlay_start_2:
0x117: {  	(tag) =	ssettag $0x2  }
0x118: {  	s0 =	rddreg [dreg:$0x0];
	s2 =	stileid.u32  }
0x119: {  	s1 =	rddreg [dreg:$0x1];
	p0 =	sne.s32 s2, $0x0  }
0x11a: {  	s3 =	rddreg [dreg:$0x2];
	[bflag:$0x3] =	sbarrier.arrive $0xFFFF;
	s2 =	simm.s32 @!p0 $0x1C03  }
0x11b: {  	[timem:s3], [sflag:s2] =	dma.local @!p0 [hbm:s0], s1  }
0x11c: {  	s0 =	simm.s32 @!p0 $0x3  }
0x11d: {  	_ =	swait.ge @!p0 [sflag:s0], s1  }
0x11e: {  	s1 =	ssub.s32 @!p0 $0x0, s1;
	[sflag:s0] =	ssyncset.done @!p0 $0x0  }
0x11f: {  	[sflag:s0] =	ssyncadd.s32 @!p0 s1  }
0x120: {  	[bflag:$0x3] =	sbarrier.arrive $0xFFFF  }
0x121: {  	_ =	shalt  }

</sc_bundles>
